<compile_context>
chip_gen: v7x
topology: tpu7x:2x2x1
jax: 0.10.2.dev20260603
libtpu: 0.0.44.dev20260713+nightly
codegen_flags: <defaults>
</compile_context>

<pallas_src>
import functools

import jax
import jax.numpy as jnp
from jax import lax
from jax.experimental import pallas as pl
from jax.experimental.pallas import tpu as pltpu
from jax.experimental.pallas import tpu_sc as plsc

N = 32768
Q = 8192
K = 64
D = 64
R2 = 0.01

FPS_R = 8
FPS_C = N // FPS_R

BQ = 32
NEG_BIG = -1e9
INF = float("inf")



def _fps_body(px, py, pz, sel_ref, scratch_mind):
    del scratch_mind
    pxv = px[...]
    pyv = py[...]
    pzv = pz[...]
    flat_iota = lax.broadcasted_iota(jnp.int32, (FPS_R, FPS_C), 0) * FPS_C + \
        lax.broadcasted_iota(jnp.int32, (FPS_R, FPS_C), 1)

    c0 = (flat_iota == 0).astype(jnp.float32)
    cx0 = jnp.sum(pxv * c0)
    cy0 = jnp.sum(pyv * c0)
    cz0 = jnp.sum(pzv * c0)
    dx = pxv - cx0
    dy = pyv - cy0
    dz = pzv - cz0
    mind0 = (dx * dx + dy * dy) + dz * dz

    sel_ref[...] = jnp.zeros((Q // 128, 128), jnp.int32)
    qiota = lax.broadcasted_iota(jnp.int32, (Q // 128, 128), 0) * 128 + \
        lax.broadcasted_iota(jnp.int32, (Q // 128, 128), 1)

    def body(i, mind):
        m = jnp.max(mind)
        cand = jnp.where(mind == m, flat_iota, N)
        nxt = jnp.min(cand)
        cm = (flat_iota == nxt).astype(jnp.float32)
        cx = jnp.sum(pxv * cm)
        cy = jnp.sum(pyv * cm)
        cz = jnp.sum(pzv * cm)
        ddx = pxv - cx
        ddy = pyv - cy
        ddz = pzv - cz
        d = (ddx * ddx + ddy * ddy) + ddz * ddz
        sel_ref[...] = jnp.where(qiota == i, nxt, sel_ref[...])
        return jnp.minimum(mind, d)

    lax.fori_loop(1, Q, body, mind0)


def _fps(pos):
    px = pos[:, 0].reshape(FPS_R, FPS_C)
    py = pos[:, 1].reshape(FPS_R, FPS_C)
    pz = pos[:, 2].reshape(FPS_R, FPS_C)
    sel2d = pl.pallas_call(
        _fps_body,
        out_shape=jax.ShapeDtypeStruct((Q // 128, 128), jnp.int32),
        scratch_shapes=[pltpu.VMEM((FPS_R, FPS_C), jnp.float32)],
    )(px, py, pz)
    return sel2d.reshape(Q)



def _sc_gather(table, idx, d_cols, chunk):
    b_total = idx.shape[0]
    info = plsc.get_sparse_core_info()
    nw = info.num_cores * info.num_subcores
    b_per_w = b_total // nw
    n_chunks = b_per_w // chunk
    mesh = plsc.VectorSubcoreMesh(core_axis_name="c", subcore_axis_name="s")

    @functools.partial(
        pl.kernel, mesh=mesh,
        out_type=jax.ShapeDtypeStruct((b_total, d_cols), jnp.float32),
        scratch_types=[
            pltpu.VMEM((chunk,), jnp.int32),
            pltpu.VMEM((chunk, d_cols), jnp.float32),
            pltpu.SemaphoreType.DMA,
        ],
    )
    def k(table_hbm, idx_hbm, out_hbm, idx_v, rows_v, sem):
        wid = lax.axis_index("s") * info.num_cores + lax.axis_index("c")
        base = wid * b_per_w

        def step(c, _):
            off = base + c * chunk
            pltpu.sync_copy(idx_hbm.at[pl.ds(off, chunk)], idx_v)
            pltpu.async_copy(table_hbm.at[idx_v], rows_v, sem).wait()
            pltpu.sync_copy(rows_v, out_hbm.at[pl.ds(off, chunk)])
            return 0

        lax.fori_loop(0, n_chunks, step, 0)

    return k(table, idx)



def _topk_body(pxr, pyr, pzr, qrow, idx_ref, d2k_ref, d2w):
    qx = qrow[:, 0:1]
    qy = qrow[:, 1:2]
    qz = qrow[:, 2:3]
    dx = pxr[...] - qx
    dy = pyr[...] - qy
    dz = pzr[...] - qz
    d2w[...] = (dx * dx + dy * dy) + dz * dz

    lane_iota = lax.broadcasted_iota(jnp.int32, (BQ, N), 1)
    k_iota = lax.broadcasted_iota(jnp.int32, (BQ, K), 1)

    def body(k, carry):
        idx_acc, d2_acc = carry
        w = d2w[...]
        m = jnp.min(w, axis=1, keepdims=True)
        cand = jnp.where(w == m, lane_iota, N)
        j = jnp.min(cand, axis=1, keepdims=True)
        d2w[...] = jnp.where(lane_iota == j, INF, w)
        idx_acc = jnp.where(k_iota == k, j, idx_acc)
        d2_acc = jnp.where(k_iota == k, m, d2_acc)
        return idx_acc, d2_acc

    idx0 = jnp.zeros((BQ, K), jnp.int32)
    d20 = jnp.zeros((BQ, K), jnp.float32)
    idx_acc, d2_acc = lax.fori_loop(0, K, body, (idx0, d20))
    idx_ref[...] = idx_acc
    d2k_ref[...] = d2_acc


def _topk(pos, qrows):
    pxr = pos[:, 0].reshape(1, N)
    pyr = pos[:, 1].reshape(1, N)
    pzr = pos[:, 2].reshape(1, N)
    grid = Q // BQ
    idx, d2k = pl.pallas_call(
        _topk_body,
        grid=(grid,),
        in_specs=[
            pl.BlockSpec((1, N), lambda i: (0, 0)),
            pl.BlockSpec((1, N), lambda i: (0, 0)),
            pl.BlockSpec((1, N), lambda i: (0, 0)),
            pl.BlockSpec((BQ, 128), lambda i: (i, 0)),
        ],
        out_specs=[
            pl.BlockSpec((BQ, K), lambda i: (i, 0)),
            pl.BlockSpec((BQ, K), lambda i: (i, 0)),
        ],
        out_shape=[
            jax.ShapeDtypeStruct((Q, K), jnp.int32),
            jax.ShapeDtypeStruct((Q, K), jnp.float32),
        ],
        scratch_shapes=[pltpu.VMEM((BQ, N), jnp.float32)],
    )(pxr, pyr, pzr, qrows)
    return idx, d2k



def _gtable_body(x, w1x, b1r, out_ref):
    out_ref[...] = jnp.dot(x[...], w1x[...],
                           preferred_element_type=jnp.float32) + b1r[0:1, :]


def _gtable(x, w1x, b1):
    b1r = jnp.broadcast_to(b1.reshape(1, D), (8, D))
    grid = N // 2048
    return pl.pallas_call(
        _gtable_body,
        grid=(grid,),
        in_specs=[
            pl.BlockSpec((2048, D), lambda i: (i, 0)),
            pl.BlockSpec((D, D), lambda i: (0, 0)),
            pl.BlockSpec((8, D), lambda i: (0, 0)),
        ],
        out_specs=pl.BlockSpec((2048, D), lambda i: (i, 0)),
        out_shape=jax.ShapeDtypeStruct((N, D), jnp.float32),
    )(x, w1x, b1r)



BROW = 8192


def _mlp_body(rows, qd, w1p, w2, b2r, out_ref):
    g = rows[:, 0:64]
    rel8 = rows[:, 64:72] - qd[:, 0:8]
    h1 = g + jnp.dot(rel8, w1p[...], preferred_element_type=jnp.float32)
    h1 = jnp.maximum(h1, 0.0)
    h2 = jnp.dot(h1, w2[...], preferred_element_type=jnp.float32) + b2r[0:1, :]
    h2 = jnp.maximum(h2, 0.0)
    valid = qd[:, 8:9] <= R2
    h2 = jnp.where(valid, h2, NEG_BIG)
    h3 = h2.reshape(BROW // K, K, D)
    out_ref[...] = jnp.max(h3, axis=1)


def _mlp_max(rows, qd, w1p8, w2, b2):
    b2r = jnp.broadcast_to(b2.reshape(1, D), (8, D))
    grid = (Q * K) // BROW
    return pl.pallas_call(
        _mlp_body,
        grid=(grid,),
        in_specs=[
            pl.BlockSpec((BROW, 128), lambda i: (i, 0)),
            pl.BlockSpec((BROW, 16), lambda i: (i, 0)),
            pl.BlockSpec((8, D), lambda i: (0, 0)),
            pl.BlockSpec((D, D), lambda i: (0, 0)),
            pl.BlockSpec((8, D), lambda i: (0, 0)),
        ],
        out_specs=pl.BlockSpec((BROW // K, D), lambda i: (i, 0)),
        out_shape=jax.ShapeDtypeStruct((Q, D), jnp.float32),
    )(rows, qd, w1p8, w2, b2r)



def kernel(x, pos, batch, W1, b1, W2, b2):
    sel = _fps(pos)

    batchf = batch.astype(jnp.float32)
    pos128 = jnp.concatenate(
        [pos, batchf[:, None], jnp.zeros((N, 124), jnp.float32)], axis=1)
    qrows = _sc_gather(pos128, sel, 128, 256)
    qpos = qrows[:, 0:3]
    batch1 = qrows[:, 3].astype(jnp.int32)

    idx, d2k = _topk(pos, qrows)

    w1x = W1[0:D, :]
    g = _gtable(x, w1x, b1)
    table128 = jnp.concatenate([g, pos, jnp.zeros((N, 61), jnp.float32)],
                               axis=1)
    rows = _sc_gather(table128, idx.reshape(Q * K), 128, 512)

    qrep = jnp.broadcast_to(qpos[:, None, :], (Q, K, 3)).reshape(Q * K, 3)
    qd = jnp.concatenate(
        [qrep, jnp.zeros((Q * K, 5), jnp.float32),
         d2k.reshape(Q * K, 1), jnp.zeros((Q * K, 7), jnp.float32)], axis=1)

    w1p8 = jnp.concatenate([W1[D:D + 3, :], jnp.zeros((5, D), jnp.float32)],
                           axis=0)
    x1 = _mlp_max(rows, qd, w1p8, W2, b2)
    return (x1, qpos, batch1)

# --- scband reference (transcript-rebuilt; emitter-appended) ---
"""Pipeline reference for scband-point-net2-samodule-25434796327487 (READ-ONLY COPY).

The authoritative reference and input builder live on the scoring server;
editing this copy changes nothing except your own understanding.
"""

import jax, jax.numpy as jnp
import numpy as np

N = 32768
RATIO = 0.25
Q = int(N * RATIO)
K = 64
D = 64
R = 0.1


def setup_inputs(seed: int = 0):
    key = jax.random.key(seed)
    k1, k2, k3, k4 = jax.random.split(key, 4)
    x = jax.random.normal(k1, (N, D), dtype=jnp.float32)
    pos = jax.random.uniform(k2, (N, 3), dtype=jnp.float32)
    batch = jnp.zeros((N,), dtype=jnp.int32)
    W1 = jax.random.normal(k3, (D + 3, 64), dtype=jnp.float32) * 0.1
    b1 = jnp.zeros((64,), dtype=jnp.float32)
    W2 = jax.random.normal(k4, (64, 64), dtype=jnp.float32) * 0.1
    b2 = jnp.zeros((64,), dtype=jnp.float32)
    return {"x": x, "pos": pos, "batch": batch, "W1": W1, "b1": b1, "W2": W2, "b2": b2}


def fps(pos, n_samples):
    # farthest point sampling, deterministic start at index 0
    sel0 = jnp.zeros((n_samples,), dtype=jnp.int32)
    d0 = jnp.sum((pos - pos[0]) ** 2, axis=1)

    def body(i, carry):
        sel, mind = carry
        nxt = jnp.argmax(mind).astype(jnp.int32)
        sel = sel.at[i].set(nxt)
        d = jnp.sum((pos - pos[nxt]) ** 2, axis=1)
        mind = jnp.minimum(mind, d)
        return (sel, mind)

    sel, _ = jax.lax.fori_loop(1, n_samples, body, (sel0, d0))
    return sel


def radius_neighbors(pos, qpos, r, k):
    # for each query, nearest-first neighbors within radius r, capped at k
    r2 = r * r

    def per_q(q):
        d2 = jnp.sum((pos - q[None, :]) ** 2, axis=1)
        negd, idx = jax.lax.top_k(-d2, k)
        valid = (-negd) <= r2
        return idx, valid

    idx, valid = jax.lax.map(per_q, qpos)
    return idx, valid


def reference(x, pos, batch, W1, b1, W2, b2):
    sel = fps(pos, Q)
    qpos = pos[sel]
    idx, valid = radius_neighbors(pos, qpos, R, K)
    # PointNetConv: message = mlp(concat(x_j, pos_j - pos_i)), max aggregation
    xj = x[idx]                      # [Q, K, D] gather
    rel = pos[idx] - qpos[:, None, :]  # [Q, K, 3]
    h = jnp.concatenate([xj, rel], axis=-1)
    h = jax.nn.relu(h @ W1 + b1)
    h = jax.nn.relu(h @ W2 + b2)
    h = jnp.where(valid[:, :, None], h, -1e9)
    x1 = jnp.max(h, axis=1)
    pos1 = qpos
    batch1 = batch[sel]
    return (x1, pos1, batch1)

if __name__ == "__main__":
    import jax
    _d = setup_inputs()
    print(jax.jit(kernel)(*tuple(_d.values())))

</pallas_src>

<mosaic_0001>
#map = affine_map<(d0, d1) -> (0, 0)>
#map1 = affine_map<(d0, d1) -> (0)>
module attributes {stable_mosaic.version = 14 : i64} {
  func.func @k(%arg0: i32, %arg1: i32, %arg2: memref<32768x128xf32, #tpu.memory_space<hbm>>, %arg3: memref<8192xi32, #tpu.memory_space<hbm>>, %arg4: memref<8192x128xf32, #tpu.memory_space<hbm>>, %arg5: memref<256xi32, #tpu.memory_space<vmem>>, %arg6: memref<256x128xf32, #tpu.memory_space<vmem>>, %arg7: memref<!tpu.dma_semaphore, #tpu.memory_space<semaphore_mem>>) attributes {dimension_semantics = [#tpu.dimension_semantics<core_parallel>, #tpu.dimension_semantics<subcore_parallel>], iteration_bounds = array<i64: 2, 16>, scalar_prefetch = 0 : i64, scratch_operands = 3 : i64, tpu.core_type = #tpu.core_type<sc_vector_subcore>, window_params = [{transform_indices = #map}, {transform_indices = #map1}, {transform_indices = #map}]} {
    %mul3A = arith.constant 2 : i32
    %mul3A_0 = arith.muli %arg1, %mul3A : i32
    %add3A = arith.addi %mul3A_0, %arg0 : i32
    %mul3A_1 = arith.constant 256 : i32
    %mul3A_2 = arith.muli %add3A, %mul3A_1 : i32
    %scan3A = arith.constant 0 : i32
    %scan3A_3 = arith.constant 0 : i32
    %mul3A_4 = arith.constant 256 : i32
    %mul3A_5 = arith.muli %scan3A_3, %mul3A_4 : i32
    %add3A_6 = arith.addi %mul3A_2, %mul3A_5 : i32
    "tpu.region"() ({
      %run_scoped3A = tpu.sem_alloc : memref<!tpu.dma_semaphore, #tpu.memory_space<semaphore_mem>>
      %dma_start3A_13 = tpu.memref_slice %arg3[%add3A_6] : memref<8192xi32, #tpu.memory_space<hbm>> -> memref<256xi32, #tpu.memory_space<hbm>>
      %dma_start3A_14 = tpu.memref_slice %arg3[%add3A_6] : memref<8192xi32, #tpu.memory_space<hbm>> -> memref<256xi32, #tpu.memory_space<hbm>>
      tpu.enqueue_dma source(%dma_start3A_14 : memref<256xi32, #tpu.memory_space<hbm>>) target(%arg5 : memref<256xi32, #tpu.memory_space<vmem>>) target_semaphore(%run_scoped3A : memref<!tpu.dma_semaphore, #tpu.memory_space<semaphore_mem>>)
      %dma_wait3A_15 = tpu.memref_slice %arg3[%add3A_6] : memref<8192xi32, #tpu.memory_space<hbm>> -> memref<256xi32, #tpu.memory_space<hbm>>
      %dma_wait3A_16 = tpu.memref_slice %arg3[%add3A_6] : memref<8192xi32, #tpu.memory_space<hbm>> -> memref<256xi32, #tpu.memory_space<hbm>>
      tpu.wait_dma2 semaphore(%run_scoped3A : memref<!tpu.dma_semaphore, #tpu.memory_space<semaphore_mem>>) src(%dma_wait3A_16 : memref<256xi32, #tpu.memory_space<hbm>>) dst(%arg5 : memref<256xi32, #tpu.memory_space<vmem>>)
      tpu.yield
    }) : () -> ()
    %dma_start3A = arith.constant 0 : i32
    %dma_start3A_7 = arith.constant 0 : i32
    %dma_start3A_8 = tpu.memref_slice %arg2[%dma_start3A, %dma_start3A_7] : memref<32768x128xf32, #tpu.memory_space<hbm>> -> memref<32768x128xf32, #tpu.memory_space<hbm>>
    tpu.enqueue_indirect_dma source(%dma_start3A_8 : memref<32768x128xf32, #tpu.memory_space<hbm>>) target(%arg6 : memref<256x128xf32, #tpu.memory_space<vmem>>) offsets(%arg5 : memref<256xi32, #tpu.memory_space<vmem>>) semaphore(%arg7 : memref<!tpu.dma_semaphore, #tpu.memory_space<semaphore_mem>>)
    %dma_wait3A = arith.constant 0 : i32
    %dma_wait3A_9 = arith.constant 0 : i32
    %dma_wait3A_10 = tpu.memref_slice %arg2[%dma_wait3A, %dma_wait3A_9] : memref<32768x128xf32, #tpu.memory_space<hbm>> -> memref<32768x128xf32, #tpu.memory_space<hbm>>
    tpu.wait_indirect_dma semaphore(%arg7 : memref<!tpu.dma_semaphore, #tpu.memory_space<semaphore_mem>>) src(%dma_wait3A_10 : memref<32768x128xf32, #tpu.memory_space<hbm>>) dst(%arg6 : memref<256x128xf32, #tpu.memory_space<vmem>>)
    "tpu.region"() ({
      %run_scoped3A = tpu.sem_alloc : memref<!tpu.dma_semaphore, #tpu.memory_space<semaphore_mem>>
      %dma_start3A_13 = arith.constant 0 : i32
      %dma_start3A_14 = tpu.memref_slice %arg4[%add3A_6, %dma_start3A_13] : memref<8192x128xf32, #tpu.memory_space<hbm>> -> memref<256x128xf32, #tpu.memory_space<hbm>>
      %dma_start3A_15 = arith.constant 0 : i32
      %dma_start3A_16 = tpu.memref_slice %arg4[%add3A_6, %dma_start3A_15] : memref<8192x128xf32, #tpu.memory_space<hbm>> -> memref<256x128xf32, #tpu.memory_space<hbm>>
      tpu.enqueue_dma source(%arg6 : memref<256x128xf32, #tpu.memory_space<vmem>>) target(%dma_start3A_16 : memref<256x128xf32, #tpu.memory_space<hbm>>) target_semaphore(%run_scoped3A : memref<!tpu.dma_semaphore, #tpu.memory_space<semaphore_mem>>)
      %dma_wait3A_17 = arith.constant 0 : i32
      %dma_wait3A_18 = tpu.memref_slice %arg4[%add3A_6, %dma_wait3A_17] : memref<8192x128xf32, #tpu.memory_space<hbm>> -> memref<256x128xf32, #tpu.memory_space<hbm>>
      %dma_wait3A_19 = arith.constant 0 : i32
      %dma_wait3A_20 = tpu.memref_slice %arg4[%add3A_6, %dma_wait3A_19] : memref<8192x128xf32, #tpu.memory_space<hbm>> -> memref<256x128xf32, #tpu.memory_space<hbm>>
      tpu.wait_dma2 semaphore(%run_scoped3A : memref<!tpu.dma_semaphore, #tpu.memory_space<semaphore_mem>>) src(%arg6 : memref<256x128xf32, #tpu.memory_space<vmem>>) dst(%dma_wait3A_20 : memref<256x128xf32, #tpu.memory_space<hbm>>)
      tpu.yield
    }) : () -> ()
    %scan3A_11 = arith.constant 0 : i32
    %scan3A_12 = arith.constant 1 : i32
    return
  }
}

#map = affine_map<(d0, d1) -> (0, 0)>
#map1 = affine_map<(d0, d1) -> (0)>
module attributes {stable_mosaic.version = 14 : i64} {
  func.func @k(%arg0: i32, %arg1: i32, %arg2: memref<32768x128xf32, #tpu.memory_space<hbm>>, %arg3: memref<524288xi32, #tpu.memory_space<hbm>>, %arg4: memref<524288x128xf32, #tpu.memory_space<hbm>>, %arg5: memref<512xi32, #tpu.memory_space<vmem>>, %arg6: memref<512x128xf32, #tpu.memory_space<vmem>>, %arg7: memref<!tpu.dma_semaphore, #tpu.memory_space<semaphore_mem>>) attributes {dimension_semantics = [#tpu.dimension_semantics<core_parallel>, #tpu.dimension_semantics<subcore_parallel>], iteration_bounds = array<i64: 2, 16>, scalar_prefetch = 0 : i64, scratch_operands = 3 : i64, tpu.core_type = #tpu.core_type<sc_vector_subcore>, window_params = [{transform_indices = #map}, {transform_indices = #map1}, {transform_indices = #map}]} {
    %mul3A = arith.constant 2 : i32
    %mul3A_0 = arith.muli %arg1, %mul3A : i32
    %add3A = arith.addi %mul3A_0, %arg0 : i32
    %mul3A_1 = arith.constant 16384 : i32
    %mul3A_2 = arith.muli %add3A, %mul3A_1 : i32
    %scan3A = arith.constant 0 : i32
    %scan3A_3 = arith.constant 0 : i32
    %scan3A_4 = arith.constant 32 : i32
    %scan3A_5 = arith.addi %scan3A_3, %scan3A_4 : i32
    %scan3A_6 = arith.constant 1 : i32
    %scan3A_7 = scf.for %scan3A_9 = %scan3A_3 to %scan3A_5 step %scan3A_6 iter_args(%scan3A_10 = %scan3A) -> (i32)  : i32 {
      %mul3A_11 = arith.constant 512 : i32
      %mul3A_12 = arith.muli %scan3A_9, %mul3A_11 : i32
      %add3A_13 = arith.addi %mul3A_2, %mul3A_12 : i32
      "tpu.region"() ({
        %run_scoped3A = tpu.sem_alloc : memref<!tpu.dma_semaphore, #tpu.memory_space<semaphore_mem>>
        %dma_start3A_19 = tpu.memref_slice %arg3[%add3A_13] : memref<524288xi32, #tpu.memory_space<hbm>> -> memref<512xi32, #tpu.memory_space<hbm>>
        %dma_start3A_20 = tpu.memref_slice %arg3[%add3A_13] : memref<524288xi32, #tpu.memory_space<hbm>> -> memref<512xi32, #tpu.memory_space<hbm>>
        tpu.enqueue_dma source(%dma_start3A_20 : memref<512xi32, #tpu.memory_space<hbm>>) target(%arg5 : memref<512xi32, #tpu.memory_space<vmem>>) target_semaphore(%run_scoped3A : memref<!tpu.dma_semaphore, #tpu.memory_space<semaphore_mem>>)
        %dma_wait3A_21 = tpu.memref_slice %arg3[%add3A_13] : memref<524288xi32, #tpu.memory_space<hbm>> -> memref<512xi32, #tpu.memory_space<hbm>>
        %dma_wait3A_22 = tpu.memref_slice %arg3[%add3A_13] : memref<524288xi32, #tpu.memory_space<hbm>> -> memref<512xi32, #tpu.memory_space<hbm>>
        tpu.wait_dma2 semaphore(%run_scoped3A : memref<!tpu.dma_semaphore, #tpu.memory_space<semaphore_mem>>) src(%dma_wait3A_22 : memref<512xi32, #tpu.memory_space<hbm>>) dst(%arg5 : memref<512xi32, #tpu.memory_space<vmem>>)
        tpu.yield
      }) : () -> ()
      %dma_start3A = arith.constant 0 : i32
      %dma_start3A_14 = arith.constant 0 : i32
      %dma_start3A_15 = tpu.memref_slice %arg2[%dma_start3A, %dma_start3A_14] : memref<32768x128xf32, #tpu.memory_space<hbm>> -> memref<32768x128xf32, #tpu.memory_space<hbm>>
      tpu.enqueue_indirect_dma source(%dma_start3A_15 : memref<32768x128xf32, #tpu.memory_space<hbm>>) target(%arg6 : memref<512x128xf32, #tpu.memory_space<vmem>>) offsets(%arg5 : memref<512xi32, #tpu.memory_space<vmem>>) semaphore(%arg7 : memref<!tpu.dma_semaphore, #tpu.memory_space<semaphore_mem>>)
      %dma_wait3A = arith.constant 0 : i32
      %dma_wait3A_16 = arith.constant 0 : i32
      %dma_wait3A_17 = tpu.memref_slice %arg2[%dma_wait3A, %dma_wait3A_16] : memref<32768x128xf32, #tpu.memory_space<hbm>> -> memref<32768x128xf32, #tpu.memory_space<hbm>>
      tpu.wait_indirect_dma semaphore(%arg7 : memref<!tpu.dma_semaphore, #tpu.memory_space<semaphore_mem>>) src(%dma_wait3A_17 : memref<32768x128xf32, #tpu.memory_space<hbm>>) dst(%arg6 : memref<512x128xf32, #tpu.memory_space<vmem>>)
      "tpu.region"() ({
        %run_scoped3A = tpu.sem_alloc : memref<!tpu.dma_semaphore, #tpu.memory_space<semaphore_mem>>
        %dma_start3A_19 = arith.constant 0 : i32
        %dma_start3A_20 = tpu.memref_slice %arg4[%add3A_13, %dma_start3A_19] : memref<524288x128xf32, #tpu.memory_space<hbm>> -> memref<512x128xf32, #tpu.memory_space<hbm>>
        %dma_start3A_21 = arith.constant 0 : i32
        %dma_start3A_22 = tpu.memref_slice %arg4[%add3A_13, %dma_start3A_21] : memref<524288x128xf32, #tpu.memory_space<hbm>> -> memref<512x128xf32, #tpu.memory_space<hbm>>
        tpu.enqueue_dma source(%arg6 : memref<512x128xf32, #tpu.memory_space<vmem>>) target(%dma_start3A_22 : memref<512x128xf32, #tpu.memory_space<hbm>>) target_semaphore(%run_scoped3A : memref<!tpu.dma_semaphore, #tpu.memory_space<semaphore_mem>>)
        %dma_wait3A_23 = arith.constant 0 : i32
        %dma_wait3A_24 = tpu.memref_slice %arg4[%add3A_13, %dma_wait3A_23] : memref<524288x128xf32, #tpu.memory_space<hbm>> -> memref<512x128xf32, #tpu.memory_space<hbm>>
        %dma_wait3A_25 = arith.constant 0 : i32
        %dma_wait3A_26 = tpu.memref_slice %arg4[%add3A_13, %dma_wait3A_25] : memref<524288x128xf32, #tpu.memory_space<hbm>> -> memref<512x128xf32, #tpu.memory_space<hbm>>
        tpu.wait_dma2 semaphore(%run_scoped3A : memref<!tpu.dma_semaphore, #tpu.memory_space<semaphore_mem>>) src(%arg6 : memref<512x128xf32, #tpu.memory_space<vmem>>) dst(%dma_wait3A_26 : memref<512x128xf32, #tpu.memory_space<hbm>>)
        tpu.yield
      }) : () -> ()
      %scan3A_18 = arith.constant 0 : i32
      scf.yield %scan3A_18 : i32
    }
    %scan3A_8 = arith.constant 32 : i32
    return
  }
}

module attributes {stable_mosaic.version = 14 : i64} {
  func.func @_fps_body(%arg0: memref<8x4096xf32, #tpu.memory_space<vmem>>, %arg1: memref<8x4096xf32, #tpu.memory_space<vmem>>, %arg2: memref<8x4096xf32, #tpu.memory_space<vmem>>, %arg3: memref<64x128xi32, #tpu.memory_space<vmem>>, %arg4: memref<8x4096xf32, #tpu.memory_space<vmem>>) attributes {dimension_semantics = [], scalar_prefetch = 0 : i64, scratch_operands = 1 : i64, tpu.core_type = #tpu.core_type<tc>} {
    %get3A = arith.constant 0 : index
    %get3A_0 = arith.constant 0 : index
    %get3A_1 = vector.load %arg0[%get3A, %get3A_0] : memref<8x4096xf32, #tpu.memory_space<vmem>>, vector<8x4096xf32>
    %get3A_2 = arith.constant 0 : index
    %get3A_3 = arith.constant 0 : index
    %get3A_4 = vector.load %arg1[%get3A_2, %get3A_3] : memref<8x4096xf32, #tpu.memory_space<vmem>>, vector<8x4096xf32>
    %get3A_5 = arith.constant 0 : index
    %get3A_6 = arith.constant 0 : index
    %get3A_7 = vector.load %arg2[%get3A_5, %get3A_6] : memref<8x4096xf32, #tpu.memory_space<vmem>>, vector<8x4096xf32>
    %iota3A = tpu.iota {dimensions = array<i32: 0>} : vector<8x4096xi32>
    %mul3A = arith.constant 4096 : i32
    %mul3A_8 = vector.broadcast %mul3A : i32 to vector<8x4096xi32>
    %mul3A_9 = arith.muli %iota3A, %mul3A_8 : vector<8x4096xi32>
    %iota3A_10 = tpu.iota {dimensions = array<i32: 1>} : vector<8x4096xi32>
    %add3A = arith.addi %mul3A_9, %iota3A_10 : vector<8x4096xi32>
    %eq3A = arith.constant 0 : i32
    %eq3A_11 = vector.broadcast %eq3A : i32 to vector<8x4096xi32>
    %eq3A_12 = arith.cmpi eq, %add3A, %eq3A_11 : vector<8x4096xi32>
    %convert_element_type3A = arith.extui %eq3A_12 : vector<8x4096xi1> to vector<8x4096xi32>
    %convert_element_type3A_13 = arith.sitofp %convert_element_type3A : vector<8x4096xi32> to vector<8x4096xf32>
    %mul3A_14 = arith.mulf %get3A_1, %convert_element_type3A_13 : vector<8x4096xf32>
    %reduce_sum3A = vector.shape_cast %mul3A_14 : vector<8x4096xf32> to vector<1x8x4096xf32>
    %reduce_sum3A_15 = arith.constant dense<0.000000e+00> : vector<1xf32>
    %reduce_sum3A_16 = vector.multi_reduction <add>, %reduce_sum3A, %reduce_sum3A_15 [1, 2] : vector<1x8x4096xf32> to vector<1xf32>
    %reduce_sum3A_17 = vector.shape_cast %reduce_sum3A_16 : vector<1xf32> to vector<1x1x1xf32>
    %reduce_sum3A_18 = vector.extract %reduce_sum3A_17[0, 0, 0] : f32 from vector<1x1x1xf32>
    %mul3A_19 = arith.mulf %get3A_4, %convert_element_type3A_13 : vector<8x4096xf32>
    %reduce_sum3A_20 = vector.shape_cast %mul3A_19 : vector<8x4096xf32> to vector<1x8x4096xf32>
    %reduce_sum3A_21 = arith.constant dense<0.000000e+00> : vector<1xf32>
    %reduce_sum3A_22 = vector.multi_reduction <add>, %reduce_sum3A_20, %reduce_sum3A_21 [1, 2] : vector<1x8x4096xf32> to vector<1xf32>
    %reduce_sum3A_23 = vector.shape_cast %reduce_sum3A_22 : vector<1xf32> to vector<1x1x1xf32>
    %reduce_sum3A_24 = vector.extract %reduce_sum3A_23[0, 0, 0] : f32 from vector<1x1x1xf32>
    %mul3A_25 = arith.mulf %get3A_7, %convert_element_type3A_13 : vector<8x4096xf32>
    %reduce_sum3A_26 = vector.shape_cast %mul3A_25 : vector<8x4096xf32> to vector<1x8x4096xf32>
    %reduce_sum3A_27 = arith.constant dense<0.000000e+00> : vector<1xf32>
    %reduce_sum3A_28 = vector.multi_reduction <add>, %reduce_sum3A_26, %reduce_sum3A_27 [1, 2] : vector<1x8x4096xf32> to vector<1xf32>
    %reduce_sum3A_29 = vector.shape_cast %reduce_sum3A_28 : vector<1xf32> to vector<1x1x1xf32>
    %reduce_sum3A_30 = vector.extract %reduce_sum3A_29[0, 0, 0] : f32 from vector<1x1x1xf32>
    %sub3A = vector.broadcast %reduce_sum3A_18 : f32 to vector<8x4096xf32>
    %sub3A_31 = arith.subf %get3A_1, %sub3A : vector<8x4096xf32>
    %sub3A_32 = vector.broadcast %reduce_sum3A_24 : f32 to vector<8x4096xf32>
    %sub3A_33 = arith.subf %get3A_4, %sub3A_32 : vector<8x4096xf32>
    %sub3A_34 = vector.broadcast %reduce_sum3A_30 : f32 to vector<8x4096xf32>
    %sub3A_35 = arith.subf %get3A_7, %sub3A_34 : vector<8x4096xf32>
    %mul3A_36 = arith.mulf %sub3A_31, %sub3A_31 : vector<8x4096xf32>
    %mul3A_37 = arith.mulf %sub3A_33, %sub3A_33 : vector<8x4096xf32>
    %add3A_38 = arith.addf %mul3A_36, %mul3A_37 : vector<8x4096xf32>
    %mul3A_39 = arith.mulf %sub3A_35, %sub3A_35 : vector<8x4096xf32>
    %add3A_40 = arith.addf %add3A_38, %mul3A_39 : vector<8x4096xf32>
    %broadcast_in_dim3A = arith.constant 0 : i32
    %broadcast_in_dim3A_41 = vector.broadcast %broadcast_in_dim3A : i32 to vector<64x128xi32>
    %swap3A = arith.constant 0 : index
    %swap3A_42 = arith.constant 0 : index
    %swap3A_43 = vector.load %arg3[%swap3A, %swap3A_42] : memref<64x128xi32, #tpu.memory_space<vmem>>, vector<64x128xi32>
    tpu.vector_store %arg3[%swap3A, %swap3A_42], %broadcast_in_dim3A_41 {strides = array<i32>} : memref<64x128xi32, #tpu.memory_space<vmem>>, vector<64x128xi32>,
    %iota3A_44 = tpu.iota {dimensions = array<i32: 0>} : vector<64x128xi32>
    %mul3A_45 = arith.constant 128 : i32
    %mul3A_46 = vector.broadcast %mul3A_45 : i32 to vector<64x128xi32>
    %mul3A_47 = arith.muli %iota3A_44, %mul3A_46 : vector<64x128xi32>
    %iota3A_48 = tpu.iota {dimensions = array<i32: 1>} : vector<64x128xi32>
    %add3A_49 = arith.addi %mul3A_47, %iota3A_48 : vector<64x128xi32>
    %scan3A = arith.constant 1 : i32
    %scan3A_50 = arith.constant 8191 : i32
    %scan3A_51 = arith.addi %scan3A, %scan3A_50 : i32
    %scan3A_52 = arith.constant 1 : i32
    %scan3A_53 = scf.for %scan3A_55 = %scan3A to %scan3A_51 step %scan3A_52 iter_args(%scan3A_56 = %add3A_40) -> (vector<8x4096xf32>)  : i32 {
      %reduce_max3A = vector.shape_cast %scan3A_56 : vector<8x4096xf32> to vector<1x8x4096xf32>
      %reduce_max3A_57 = arith.constant dense<0xFF800000> : vector<1xf32>
      %reduce_max3A_58 = vector.multi_reduction <maximumf>, %reduce_max3A, %reduce_max3A_57 [1, 2] : vector<1x8x4096xf32> to vector<1xf32>
      %reduce_max3A_59 = vector.shape_cast %reduce_max3A_58 : vector<1xf32> to vector<1x1x1xf32>
      %reduce_max3A_60 = vector.extract %reduce_max3A_59[0, 0, 0] : f32 from vector<1x1x1xf32>
      %eq3A_61 = vector.broadcast %reduce_max3A_60 : f32 to vector<8x4096xf32>
      %eq3A_62 = arith.cmpf oeq, %scan3A_56, %eq3A_61 : vector<8x4096xf32>
      %jit3A = arith.constant 32768 : i32
      %broadcast_in_dim3A_63 = vector.broadcast %jit3A : i32 to vector<8x4096xi32>
      %select_n3A = arith.select %eq3A_62, %add3A, %broadcast_in_dim3A_63 : vector<8x4096xi1>, vector<8x4096xi32>
      %reduce_min3A = vector.shape_cast %select_n3A : vector<8x4096xi32> to vector<1x8x4096xi32>
      %reduce_min3A_64 = arith.constant dense<2147483647> : vector<1xi32>
      %reduce_min3A_65 = vector.multi_reduction <minsi>, %reduce_min3A, %reduce_min3A_64 [1, 2] : vector<1x8x4096xi32> to vector<1xi32>
      %reduce_min3A_66 = vector.shape_cast %reduce_min3A_65 : vector<1xi32> to vector<1x1x1xi32>
      %reduce_min3A_67 = vector.extract %reduce_min3A_66[0, 0, 0] : i32 from vector<1x1x1xi32>
      %eq3A_68 = vector.broadcast %reduce_min3A_67 : i32 to vector<8x4096xi32>
      %eq3A_69 = arith.cmpi eq, %add3A, %eq3A_68 : vector<8x4096xi32>
      %convert_element_type3A_70 = arith.extui %eq3A_69 : vector<8x4096xi1> to vector<8x4096xi32>
      %convert_element_type3A_71 = arith.sitofp %convert_element_type3A_70 : vector<8x4096xi32> to vector<8x4096xf32>
      %mul3A_72 = arith.mulf %get3A_1, %convert_element_type3A_71 : vector<8x4096xf32>
      %reduce_sum3A_73 = vector.shape_cast %mul3A_72 : vector<8x4096xf32> to vector<1x8x4096xf32>
      %reduce_sum3A_74 = arith.constant dense<0.000000e+00> : vector<1xf32>
      %reduce_sum3A_75 = vector.multi_reduction <add>, %reduce_sum3A_73, %reduce_sum3A_74 [1, 2] : vector<1x8x4096xf32> to vector<1xf32>
      %reduce_sum3A_76 = vector.shape_cast %reduce_sum3A_75 : vector<1xf32> to vector<1x1x1xf32>
      %reduce_sum3A_77 = vector.extract %reduce_sum3A_76[0, 0, 0] : f32 from vector<1x1x1xf32>
      %mul3A_78 = arith.mulf %get3A_4, %convert_element_type3A_71 : vector<8x4096xf32>
      %reduce_sum3A_79 = vector.shape_cast %mul3A_78 : vector<8x4096xf32> to vector<1x8x4096xf32>
      %reduce_sum3A_80 = arith.constant dense<0.000000e+00> : vector<1xf32>
      %reduce_sum3A_81 = vector.multi_reduction <add>, %reduce_sum3A_79, %reduce_sum3A_80 [1, 2] : vector<1x8x4096xf32> to vector<1xf32>
      %reduce_sum3A_82 = vector.shape_cast %reduce_sum3A_81 : vector<1xf32> to vector<1x1x1xf32>
      %reduce_sum3A_83 = vector.extract %reduce_sum3A_82[0, 0, 0] : f32 from vector<1x1x1xf32>
      %mul3A_84 = arith.mulf %get3A_7, %convert_element_type3A_71 : vector<8x4096xf32>
      %reduce_sum3A_85 = vector.shape_cast %mul3A_84 : vector<8x4096xf32> to vector<1x8x4096xf32>
      %reduce_sum3A_86 = arith.constant dense<0.000000e+00> : vector<1xf32>
      %reduce_sum3A_87 = vector.multi_reduction <add>, %reduce_sum3A_85, %reduce_sum3A_86 [1, 2] : vector<1x8x4096xf32> to vector<1xf32>
      %reduce_sum3A_88 = vector.shape_cast %reduce_sum3A_87 : vector<1xf32> to vector<1x1x1xf32>
      %reduce_sum3A_89 = vector.extract %reduce_sum3A_88[0, 0, 0] : f32 from vector<1x1x1xf32>
      %sub3A_90 = vector.broadcast %reduce_sum3A_77 : f32 to vector<8x4096xf32>
      %sub3A_91 = arith.subf %get3A_1, %sub3A_90 : vector<8x4096xf32>
      %sub3A_92 = vector.broadcast %reduce_sum3A_83 : f32 to vector<8x4096xf32>
      %sub3A_93 = arith.subf %get3A_4, %sub3A_92 : vector<8x4096xf32>
      %sub3A_94 = vector.broadcast %reduce_sum3A_89 : f32 to vector<8x4096xf32>
      %sub3A_95 = arith.subf %get3A_7, %sub3A_94 : vector<8x4096xf32>
      %mul3A_96 = arith.mulf %sub3A_91, %sub3A_91 : vector<8x4096xf32>
      %mul3A_97 = arith.mulf %sub3A_93, %sub3A_93 : vector<8x4096xf32>
      %add3A_98 = arith.addf %mul3A_96, %mul3A_97 : vector<8x4096xf32>
      %mul3A_99 = arith.mulf %sub3A_95, %sub3A_95 : vector<8x4096xf32>
      %add3A_100 = arith.addf %add3A_98, %mul3A_99 : vector<8x4096xf32>
      %eq3A_101 = vector.broadcast %scan3A_55 : i32 to vector<64x128xi32>
      %eq3A_102 = arith.cmpi eq, %add3A_49, %eq3A_101 : vector<64x128xi32>
      %get3A_103 = arith.constant 0 : index
      %get3A_104 = arith.constant 0 : index
      %get3A_105 = vector.load %arg3[%get3A_103, %get3A_104] : memref<64x128xi32, #tpu.memory_space<vmem>>, vector<64x128xi32>
      %broadcast_in_dim3A_106 = vector.broadcast %reduce_min3A_67 : i32 to vector<64x128xi32>
      %select_n3A_107 = arith.select %eq3A_102, %broadcast_in_dim3A_106, %get3A_105 : vector<64x128xi1>, vector<64x128xi32>
      %swap3A_108 = arith.constant 0 : index
      %swap3A_109 = arith.constant 0 : index
      %swap3A_110 = vector.load %arg3[%swap3A_108, %swap3A_109] : memref<64x128xi32, #tpu.memory_space<vmem>>, vector<64x128xi32>
      tpu.vector_store %arg3[%swap3A_108, %swap3A_109], %select_n3A_107 {strides = array<i32>} : memref<64x128xi32, #tpu.memory_space<vmem>>, vector<64x128xi32>,
      %min3A = arith.minimumf %scan3A_56, %add3A_100 : vector<8x4096xf32>
      scf.yield %min3A : vector<8x4096xf32>
    }
    %scan3A_54 = arith.constant 8191 : i32
    return
  }
}

module attributes {stable_mosaic.version = 14 : i64} {
  func.func @_gtable_body(%arg0: i32, %arg1: memref<2048x64xf32, #tpu.memory_space<vmem>>, %arg2: memref<64x64xf32, #tpu.memory_space<vmem>>, %arg3: memref<8x64xf32, #tpu.memory_space<vmem>>, %arg4: memref<2048x64xf32, #tpu.memory_space<vmem>>) attributes {dimension_semantics = [#tpu.dimension_semantics<arbitrary>], iteration_bounds = array<i64: 16>, scalar_prefetch = 0 : i64, scratch_operands = 0 : i64, tpu.core_type = #tpu.core_type<tc>, window_params = [{transform_indices = @transform_0, window_bounds = array<i64: 2048, 64>}, {pipeline_mode = #tpu.pipeline_mode<synchronous>, transform_indices = @transform_1, window_bounds = array<i64: 64, 64>}, {pipeline_mode = #tpu.pipeline_mode<synchronous>, transform_indices = @transform_2, window_bounds = array<i64: 8, 64>}, {transform_indices = @transform_3, window_bounds = array<i64: 2048, 64>}]} {
    %get3A = arith.constant 0 : index
    %get3A_0 = arith.constant 0 : index
    %get3A_1 = vector.load %arg1[%get3A, %get3A_0] : memref<2048x64xf32, #tpu.memory_space<vmem>>, vector<2048x64xf32>
    %get3A_2 = arith.constant 0 : index
    %get3A_3 = arith.constant 0 : index
    %get3A_4 = vector.load %arg2[%get3A_2, %get3A_3] : memref<64x64xf32, #tpu.memory_space<vmem>>, vector<64x64xf32>
    %dot_general3A = arith.constant dense<0.000000e+00> : vector<2048x64xf32>
    %dot_general3A_5 = tpu.matmul %get3A_1, %get3A_4, %dot_general3A {dimension_numbers = #tpu.dot_dimension_numbers<[1], [0], [0], [1], [0, 0, 1, 1], [], []>, transpose_lhs_hint = false} : vector<2048x64xf32>, vector<64x64xf32>, vector<2048x64xf32> -> vector<2048x64xf32>
    %get3A_6 = arith.constant 0 : index
    %get3A_7 = arith.constant 0 : index
    %get3A_8 = vector.load %arg3[%get3A_6, %get3A_7] : memref<8x64xf32, #tpu.memory_space<vmem>>, vector<1x64xf32>
    %add3A = vector.broadcast %get3A_8 : vector<1x64xf32> to vector<2048x64xf32>
    %add3A_9 = arith.addf %dot_general3A_5, %add3A : vector<2048x64xf32>
    %swap3A = arith.constant 0 : index
    %swap3A_10 = arith.constant 0 : index
    %swap3A_11 = vector.load %arg4[%swap3A, %swap3A_10] : memref<2048x64xf32, #tpu.memory_space<vmem>>, vector<2048x64xf32>
    tpu.vector_store %arg4[%swap3A, %swap3A_10], %add3A_9 {strides = array<i32>} : memref<2048x64xf32, #tpu.memory_space<vmem>>, vector<2048x64xf32>,
    return
  }
  func.func @transform_0(%arg0: i32) -> (i32, i32) {
    %c0_i32 = arith.constant 0 : i32
    %c0_i32_0 = arith.constant 0 : i32
    return %arg0, %c0_i32 : i32, i32
  }
  func.func @transform_1(%arg0: i32) -> (i32, i32) {
    %c0_i32 = arith.constant 0 : i32
    %c0_i32_0 = arith.constant 0 : i32
    %c0_i32_1 = arith.constant 0 : i32
    return %c0_i32, %c0_i32_0 : i32, i32
  }
  func.func @transform_2(%arg0: i32) -> (i32, i32) {
    %c0_i32 = arith.constant 0 : i32
    %c0_i32_0 = arith.constant 0 : i32
    %c0_i32_1 = arith.constant 0 : i32
    return %c0_i32, %c0_i32_0 : i32, i32
  }
  func.func @transform_3(%arg0: i32) -> (i32, i32) {
    %c0_i32 = arith.constant 0 : i32
    %c0_i32_0 = arith.constant 0 : i32
    return %arg0, %c0_i32 : i32, i32
  }
}

module attributes {stable_mosaic.version = 14 : i64} {
  func.func @_topk_body(%arg0: i32, %arg1: memref<1x32768xf32, #tpu.memory_space<vmem>>, %arg2: memref<1x32768xf32, #tpu.memory_space<vmem>>, %arg3: memref<1x32768xf32, #tpu.memory_space<vmem>>, %arg4: memref<32x128xf32, #tpu.memory_space<vmem>>, %arg5: memref<32x64xi32, #tpu.memory_space<vmem>>, %arg6: memref<32x64xf32, #tpu.memory_space<vmem>>, %arg7: memref<32x32768xf32, #tpu.memory_space<vmem>>) attributes {dimension_semantics = [#tpu.dimension_semantics<arbitrary>], iteration_bounds = array<i64: 256>, scalar_prefetch = 0 : i64, scratch_operands = 1 : i64, tpu.core_type = #tpu.core_type<tc>, window_params = [{pipeline_mode = #tpu.pipeline_mode<synchronous>, transform_indices = @transform_0, window_bounds = array<i64: 1, 32768>}, {pipeline_mode = #tpu.pipeline_mode<synchronous>, transform_indices = @transform_1, window_bounds = array<i64: 1, 32768>}, {pipeline_mode = #tpu.pipeline_mode<synchronous>, transform_indices = @transform_2, window_bounds = array<i64: 1, 32768>}, {transform_indices = @transform_3, window_bounds = array<i64: 32, 128>}, {transform_indices = @transform_4, window_bounds = array<i64: 32, 64>}, {transform_indices = @transform_5, window_bounds = array<i64: 32, 64>}]} {
    %get3A = arith.constant 0 : index
    %get3A_0 = arith.constant 0 : index
    %get3A_1 = vector.load %arg4[%get3A, %get3A_0] : memref<32x128xf32, #tpu.memory_space<vmem>>, vector<32x1xf32>
    %get3A_2 = arith.constant 0 : index
    %get3A_3 = arith.constant 1 : index
    %get3A_4 = vector.load %arg4[%get3A_2, %get3A_3] : memref<32x128xf32, #tpu.memory_space<vmem>>, vector<32x1xf32>
    %get3A_5 = arith.constant 0 : index
    %get3A_6 = arith.constant 2 : index
    %get3A_7 = vector.load %arg4[%get3A_5, %get3A_6] : memref<32x128xf32, #tpu.memory_space<vmem>>, vector<32x1xf32>
    %get3A_8 = arith.constant 0 : index
    %get3A_9 = arith.constant 0 : index
    %get3A_10 = vector.load %arg1[%get3A_8, %get3A_9] : memref<1x32768xf32, #tpu.memory_space<vmem>>, vector<1x32768xf32>
    %sub3A = vector.broadcast %get3A_10 : vector<1x32768xf32> to vector<32x32768xf32>
    %sub3A_11 = vector.broadcast %get3A_1 : vector<32x1xf32> to vector<32x32768xf32>
    %sub3A_12 = arith.subf %sub3A, %sub3A_11 : vector<32x32768xf32>
    %get3A_13 = arith.constant 0 : index
    %get3A_14 = arith.constant 0 : index
    %get3A_15 = vector.load %arg2[%get3A_13, %get3A_14] : memref<1x32768xf32, #tpu.memory_space<vmem>>, vector<1x32768xf32>
    %sub3A_16 = vector.broadcast %get3A_15 : vector<1x32768xf32> to vector<32x32768xf32>
    %sub3A_17 = vector.broadcast %get3A_4 : vector<32x1xf32> to vector<32x32768xf32>
    %sub3A_18 = arith.subf %sub3A_16, %sub3A_17 : vector<32x32768xf32>
    %get3A_19 = arith.constant 0 : index
    %get3A_20 = arith.constant 0 : index
    %get3A_21 = vector.load %arg3[%get3A_19, %get3A_20] : memref<1x32768xf32, #tpu.memory_space<vmem>>, vector<1x32768xf32>
    %sub3A_22 = vector.broadcast %get3A_21 : vector<1x32768xf32> to vector<32x32768xf32>
    %sub3A_23 = vector.broadcast %get3A_7 : vector<32x1xf32> to vector<32x32768xf32>
    %sub3A_24 = arith.subf %sub3A_22, %sub3A_23 : vector<32x32768xf32>
    %mul3A = arith.mulf %sub3A_12, %sub3A_12 : vector<32x32768xf32>
    %mul3A_25 = arith.mulf %sub3A_18, %sub3A_18 : vector<32x32768xf32>
    %add3A = arith.addf %mul3A, %mul3A_25 : vector<32x32768xf32>
    %mul3A_26 = arith.mulf %sub3A_24, %sub3A_24 : vector<32x32768xf32>
    %add3A_27 = arith.addf %add3A, %mul3A_26 : vector<32x32768xf32>
    %swap3A = arith.constant 0 : index
    %swap3A_28 = arith.constant 0 : index
    %swap3A_29 = vector.load %arg7[%swap3A, %swap3A_28] : memref<32x32768xf32, #tpu.memory_space<vmem>>, vector<32x32768xf32>
    tpu.vector_store %arg7[%swap3A, %swap3A_28], %add3A_27 {strides = array<i32>} : memref<32x32768xf32, #tpu.memory_space<vmem>>, vector<32x32768xf32>,
    %iota3A = tpu.iota {dimensions = array<i32: 1>} : vector<32x32768xi32>
    %iota3A_30 = tpu.iota {dimensions = array<i32: 1>} : vector<32x64xi32>
    %broadcast_in_dim3A = arith.constant 0 : i32
    %broadcast_in_dim3A_31 = vector.broadcast %broadcast_in_dim3A : i32 to vector<32x64xi32>
    %broadcast_in_dim3A_32 = arith.constant 0.000000e+00 : f32
    %broadcast_in_dim3A_33 = vector.broadcast %broadcast_in_dim3A_32 : f32 to vector<32x64xf32>
    %scan3A = arith.constant 0 : i32
    %scan3A_34 = arith.constant 64 : i32
    %scan3A_35 = arith.addi %scan3A, %scan3A_34 : i32
    %scan3A_36 = arith.constant 1 : i32
    %scan3A_37:2 = scf.for %scan3A_45 = %scan3A to %scan3A_35 step %scan3A_36 iter_args(%scan3A_46 = %broadcast_in_dim3A_31, %scan3A_47 = %broadcast_in_dim3A_33) -> (vector<32x64xi32>, vector<32x64xf32>)  : i32 {
      %get3A_48 = arith.constant 0 : index
      %get3A_49 = arith.constant 0 : index
      %get3A_50 = vector.load %arg7[%get3A_48, %get3A_49] : memref<32x32768xf32, #tpu.memory_space<vmem>>, vector<32x32768xf32>
      %reduce_min3A = arith.constant dense<0x7F800000> : vector<32xf32>
      %reduce_min3A_51 = vector.multi_reduction <minimumf>, %get3A_50, %reduce_min3A [1] : vector<32x32768xf32> to vector<32xf32>
      %broadcast_in_dim3A_52 = vector.shape_cast %reduce_min3A_51 : vector<32xf32> to vector<32x1xf32>
      %eq3A = vector.broadcast %broadcast_in_dim3A_52 : vector<32x1xf32> to vector<32x32768xf32>
      %eq3A_53 = arith.cmpf oeq, %get3A_50, %eq3A : vector<32x32768xf32>
      %jit3A = arith.constant 32768 : i32
      %broadcast_in_dim3A_54 = vector.broadcast %jit3A : i32 to vector<32x32768xi32>
      %select_n3A = arith.select %eq3A_53, %iota3A, %broadcast_in_dim3A_54 : vector<32x32768xi1>, vector<32x32768xi32>
      %reduce_min3A_55 = arith.constant dense<2147483647> : vector<32xi32>
      %reduce_min3A_56 = vector.multi_reduction <minsi>, %select_n3A, %reduce_min3A_55 [1] : vector<32x32768xi32> to vector<32xi32>
      %broadcast_in_dim3A_57 = vector.shape_cast %reduce_min3A_56 : vector<32xi32> to vector<32x1xi32>
      %eq3A_58 = vector.broadcast %broadcast_in_dim3A_57 : vector<32x1xi32> to vector<32x32768xi32>
      %eq3A_59 = arith.cmpi eq, %iota3A, %eq3A_58 : vector<32x32768xi32>
      %jit3A_60 = arith.constant 0x7F800000 : f32
      %broadcast_in_dim3A_61 = vector.broadcast %jit3A_60 : f32 to vector<32x32768xf32>
      %select_n3A_62 = arith.select %eq3A_59, %broadcast_in_dim3A_61, %get3A_50 : vector<32x32768xi1>, vector<32x32768xf32>
      %swap3A_63 = arith.constant 0 : index
      %swap3A_64 = arith.constant 0 : index
      %swap3A_65 = vector.load %arg7[%swap3A_63, %swap3A_64] : memref<32x32768xf32, #tpu.memory_space<vmem>>, vector<32x32768xf32>
      tpu.vector_store %arg7[%swap3A_63, %swap3A_64], %select_n3A_62 {strides = array<i32>} : memref<32x32768xf32, #tpu.memory_space<vmem>>, vector<32x32768xf32>,
      %eq3A_66 = vector.broadcast %scan3A_45 : i32 to vector<32x64xi32>
      %eq3A_67 = arith.cmpi eq, %iota3A_30, %eq3A_66 : vector<32x64xi32>
      %broadcast_in_dim3A_68 = vector.shape_cast %broadcast_in_dim3A_57 : vector<32x1xi32> to vector<32x1xi32>
      %broadcast_in_dim3A_69 = vector.broadcast %broadcast_in_dim3A_68 : vector<32x1xi32> to vector<32x64xi32>
      %select_n3A_70 = arith.select %eq3A_67, %broadcast_in_dim3A_69, %scan3A_46 : vector<32x64xi1>, vector<32x64xi32>
      %eq3A_71 = vector.broadcast %scan3A_45 : i32 to vector<32x64xi32>
      %eq3A_72 = arith.cmpi eq, %iota3A_30, %eq3A_71 : vector<32x64xi32>
      %broadcast_in_dim3A_73 = vector.shape_cast %broadcast_in_dim3A_52 : vector<32x1xf32> to vector<32x1xf32>
      %broadcast_in_dim3A_74 = vector.broadcast %broadcast_in_dim3A_73 : vector<32x1xf32> to vector<32x64xf32>
      %select_n3A_75 = arith.select %eq3A_72, %broadcast_in_dim3A_74, %scan3A_47 : vector<32x64xi1>, vector<32x64xf32>
      scf.yield %select_n3A_70, %select_n3A_75 : vector<32x64xi32>, vector<32x64xf32>
    }
    %scan3A_38 = arith.constant 64 : i32
    %swap3A_39 = arith.constant 0 : index
    %swap3A_40 = arith.constant 0 : index
    %swap3A_41 = vector.load %arg5[%swap3A_39, %swap3A_40] : memref<32x64xi32, #tpu.memory_space<vmem>>, vector<32x64xi32>
    tpu.vector_store %arg5[%swap3A_39, %swap3A_40], %scan3A_37#0 {strides = array<i32>} : memref<32x64xi32, #tpu.memory_space<vmem>>, vector<32x64xi32>,
    %swap3A_42 = arith.constant 0 : index
    %swap3A_43 = arith.constant 0 : index
    %swap3A_44 = vector.load %arg6[%swap3A_42, %swap3A_43] : memref<32x64xf32, #tpu.memory_space<vmem>>, vector<32x64xf32>
    tpu.vector_store %arg6[%swap3A_42, %swap3A_43], %scan3A_37#1 {strides = array<i32>} : memref<32x64xf32, #tpu.memory_space<vmem>>, vector<32x64xf32>,
    return
  }
  func.func @transform_0(%arg0: i32) -> (i32, i32) {
    %c0_i32 = arith.constant 0 : i32
    %c0_i32_0 = arith.constant 0 : i32
    %c0_i32_1 = arith.constant 0 : i32
    return %c0_i32, %c0_i32_0 : i32, i32
  }
  func.func @transform_1(%arg0: i32) -> (i32, i32) {
    %c0_i32 = arith.constant 0 : i32
    %c0_i32_0 = arith.constant 0 : i32
    %c0_i32_1 = arith.constant 0 : i32
    return %c0_i32, %c0_i32_0 : i32, i32
  }
  func.func @transform_2(%arg0: i32) -> (i32, i32) {
    %c0_i32 = arith.constant 0 : i32
    %c0_i32_0 = arith.constant 0 : i32
    %c0_i32_1 = arith.constant 0 : i32
    return %c0_i32, %c0_i32_0 : i32, i32
  }
  func.func @transform_3(%arg0: i32) -> (i32, i32) {
    %c0_i32 = arith.constant 0 : i32
    %c0_i32_0 = arith.constant 0 : i32
    return %arg0, %c0_i32 : i32, i32
  }
  func.func @transform_4(%arg0: i32) -> (i32, i32) {
    %c0_i32 = arith.constant 0 : i32
    %c0_i32_0 = arith.constant 0 : i32
    return %arg0, %c0_i32 : i32, i32
  }
  func.func @transform_5(%arg0: i32) -> (i32, i32) {
    %c0_i32 = arith.constant 0 : i32
    %c0_i32_0 = arith.constant 0 : i32
    return %arg0, %c0_i32 : i32, i32
  }
}

module attributes {stable_mosaic.version = 14 : i64} {
  func.func @_mlp_body(%arg0: i32, %arg1: memref<8192x128xf32, #tpu.memory_space<vmem>>, %arg2: memref<8192x16xf32, #tpu.memory_space<vmem>>, %arg3: memref<8x64xf32, #tpu.memory_space<vmem>>, %arg4: memref<64x64xf32, #tpu.memory_space<vmem>>, %arg5: memref<8x64xf32, #tpu.memory_space<vmem>>, %arg6: memref<128x64xf32, #tpu.memory_space<vmem>>) attributes {dimension_semantics = [#tpu.dimension_semantics<arbitrary>], iteration_bounds = array<i64: 64>, scalar_prefetch = 0 : i64, scratch_operands = 0 : i64, tpu.core_type = #tpu.core_type<tc>, window_params = [{transform_indices = @transform_0, window_bounds = array<i64: 8192, 128>}, {transform_indices = @transform_1, window_bounds = array<i64: 8192, 16>}, {pipeline_mode = #tpu.pipeline_mode<synchronous>, transform_indices = @transform_2, window_bounds = array<i64: 8, 64>}, {pipeline_mode = #tpu.pipeline_mode<synchronous>, transform_indices = @transform_3, window_bounds = array<i64: 64, 64>}, {pipeline_mode = #tpu.pipeline_mode<synchronous>, transform_indices = @transform_4, window_bounds = array<i64: 8, 64>}, {transform_indices = @transform_5, window_bounds = array<i64: 128, 64>}]} {
    %get3A = arith.constant 0 : index
    %get3A_0 = arith.constant 0 : index
    %get3A_1 = vector.load %arg1[%get3A, %get3A_0] : memref<8192x128xf32, #tpu.memory_space<vmem>>, vector<8192x64xf32>
    %get3A_2 = arith.constant 0 : index
    %get3A_3 = arith.constant 64 : index
    %get3A_4 = vector.load %arg1[%get3A_2, %get3A_3] : memref<8192x128xf32, #tpu.memory_space<vmem>>, vector<8192x8xf32>
    %get3A_5 = arith.constant 0 : index
    %get3A_6 = arith.constant 0 : index
    %get3A_7 = vector.load %arg2[%get3A_5, %get3A_6] : memref<8192x16xf32, #tpu.memory_space<vmem>>, vector<8192x8xf32>
    %sub3A = arith.subf %get3A_4, %get3A_7 : vector<8192x8xf32>
    %get3A_8 = arith.constant 0 : index
    %get3A_9 = arith.constant 0 : index
    %get3A_10 = vector.load %arg3[%get3A_8, %get3A_9] : memref<8x64xf32, #tpu.memory_space<vmem>>, vector<8x64xf32>
    %dot_general3A = arith.constant dense<0.000000e+00> : vector<8192x64xf32>
    %dot_general3A_11 = tpu.matmul %sub3A, %get3A_10, %dot_general3A {dimension_numbers = #tpu.dot_dimension_numbers<[1], [0], [0], [1], [0, 0, 1, 1], [], []>, transpose_lhs_hint = false} : vector<8192x8xf32>, vector<8x64xf32>, vector<8192x64xf32> -> vector<8192x64xf32>
    %add3A = arith.addf %get3A_1, %dot_general3A_11 : vector<8192x64xf32>
    %max3A = arith.constant 0.000000e+00 : f32
    %max3A_12 = vector.broadcast %max3A : f32 to vector<8192x64xf32>
    %max3A_13 = arith.maximumf %add3A, %max3A_12 : vector<8192x64xf32>
    %get3A_14 = arith.constant 0 : index
    %get3A_15 = arith.constant 0 : index
    %get3A_16 = vector.load %arg4[%get3A_14, %get3A_15] : memref<64x64xf32, #tpu.memory_space<vmem>>, vector<64x64xf32>
    %dot_general3A_17 = arith.constant dense<0.000000e+00> : vector<8192x64xf32>
    %dot_general3A_18 = tpu.matmul %max3A_13, %get3A_16, %dot_general3A_17 {dimension_numbers = #tpu.dot_dimension_numbers<[1], [0], [0], [1], [0, 0, 1, 1], [], []>, transpose_lhs_hint = false} : vector<8192x64xf32>, vector<64x64xf32>, vector<8192x64xf32> -> vector<8192x64xf32>
    %get3A_19 = arith.constant 0 : index
    %get3A_20 = arith.constant 0 : index
    %get3A_21 = vector.load %arg5[%get3A_19, %get3A_20] : memref<8x64xf32, #tpu.memory_space<vmem>>, vector<1x64xf32>
    %add3A_22 = vector.broadcast %get3A_21 : vector<1x64xf32> to vector<8192x64xf32>
    %add3A_23 = arith.addf %dot_general3A_18, %add3A_22 : vector<8192x64xf32>
    %max3A_24 = arith.constant 0.000000e+00 : f32
    %max3A_25 = vector.broadcast %max3A_24 : f32 to vector<8192x64xf32>
    %max3A_26 = arith.maximumf %add3A_23, %max3A_25 : vector<8192x64xf32>
    %get3A_27 = arith.constant 0 : index
    %get3A_28 = arith.constant 8 : index
    %get3A_29 = vector.load %arg2[%get3A_27, %get3A_28] : memref<8192x16xf32, #tpu.memory_space<vmem>>, vector<8192x1xf32>
    %le3A = arith.constant 0.00999999977 : f32
    %le3A_30 = vector.broadcast %le3A : f32 to vector<8192x1xf32>
    %le3A_31 = arith.cmpf ole, %get3A_29, %le3A_30 : vector<8192x1xf32>
    %jit3A = arith.constant -1.000000e+09 : f32
    %broadcast_in_dim3A = vector.shape_cast %le3A_31 : vector<8192x1xi1> to vector<8192x1xi1>
    %broadcast_in_dim3A_32 = vector.broadcast %broadcast_in_dim3A : vector<8192x1xi1> to vector<8192x64xi1>
    %broadcast_in_dim3A_33 = vector.broadcast %jit3A : f32 to vector<8192x64xf32>
    %select_n3A = arith.select %broadcast_in_dim3A_32, %max3A_26, %broadcast_in_dim3A_33 : vector<8192x64xi1>, vector<8192x64xf32>
    %reshape3A = vector.shape_cast %select_n3A : vector<8192x64xf32> to vector<128x64x64xf32>
    %reduce_max3A = arith.constant dense<0xFF800000> : vector<128x64xf32>
    %reduce_max3A_34 = vector.multi_reduction <maximumf>, %reshape3A, %reduce_max3A [1] : vector<128x64x64xf32> to vector<128x64xf32>
    %swap3A = arith.constant 0 : index
    %swap3A_35 = arith.constant 0 : index
    %swap3A_36 = vector.load %arg6[%swap3A, %swap3A_35] : memref<128x64xf32, #tpu.memory_space<vmem>>, vector<128x64xf32>
    tpu.vector_store %arg6[%swap3A, %swap3A_35], %reduce_max3A_34 {strides = array<i32>} : memref<128x64xf32, #tpu.memory_space<vmem>>, vector<128x64xf32>,
    return
  }
  func.func @transform_0(%arg0: i32) -> (i32, i32) {
    %c0_i32 = arith.constant 0 : i32
    %c0_i32_0 = arith.constant 0 : i32
    return %arg0, %c0_i32 : i32, i32
  }
  func.func @transform_1(%arg0: i32) -> (i32, i32) {
    %c0_i32 = arith.constant 0 : i32
    %c0_i32_0 = arith.constant 0 : i32
    return %arg0, %c0_i32 : i32, i32
  }
  func.func @transform_2(%arg0: i32) -> (i32, i32) {
    %c0_i32 = arith.constant 0 : i32
    %c0_i32_0 = arith.constant 0 : i32
    %c0_i32_1 = arith.constant 0 : i32
    return %c0_i32, %c0_i32_0 : i32, i32
  }
  func.func @transform_3(%arg0: i32) -> (i32, i32) {
    %c0_i32 = arith.constant 0 : i32
    %c0_i32_0 = arith.constant 0 : i32
    %c0_i32_1 = arith.constant 0 : i32
    return %c0_i32, %c0_i32_0 : i32, i32
  }
  func.func @transform_4(%arg0: i32) -> (i32, i32) {
    %c0_i32 = arith.constant 0 : i32
    %c0_i32_0 = arith.constant 0 : i32
    %c0_i32_1 = arith.constant 0 : i32
    return %c0_i32, %c0_i32_0 : i32, i32
  }
  func.func @transform_5(%arg0: i32) -> (i32, i32) {
    %c0_i32 = arith.constant 0 : i32
    %c0_i32_0 = arith.constant 0 : i32
    return %arg0, %c0_i32 : i32, i32
  }
}

</mosaic_0001>

<sc_bundles>
// kernel: kernel.11.cloned.1.call-start
scs
__scs_entry_jumppad:
0x0: {  	(pc) =	sbr.rel $0x88, $3  }
0x1: {  	(tag) =	ssettag $0x0;
	lr =	simm.s32 $0x1  }
0x2: {  	[smem:$0x3F9A] =	sst lr;
	_ =	strace $0xD0000000  }
0x3: {  	_ = 	snop  }
0x4: {  	_ = 	snop  }
0x5: {  	_ = 	snop  }
0x6: {  	_ = 	snop  }
0x7: {  	_ = 	snop  }
__scs_overlays_trampoline_lowered:
0x8: {  	[smem:$0x3FA9] =	sst s0  }
0x9: {  	[smem:$0x3FAA] =	sst s1  }
0xa: {  	[smem:$0x3FAB] =	sst s2  }
0xb: {  	[smem:$0x3FAC] =	sst s3  }
0xc: {  	[smem:$0x3FAD] =	sst s4  }
0xd: {  	[smem:$0x3FAE] =	sst s5  }
0xe: {  	[smem:$0x3FAF] =	sst s6  }
0xf: {  	[smem:$0x3FB0] =	sst s7  }
0x10: {  	[smem:$0x3FB1] =	sst s8  }
0x11: {  	[smem:$0x3FB2] =	sst s9;
	s0 =	simm.s32 @!p0 $0x0  }
0x12: {  	s1 =	sld [smem:$0x3F98];
	s0 =	simm.s32 @p0 $0x1  }
0x13: {  	[smem:$0x3FB3] =	sst s0;
	s0 =	simm.s32 @!p1 $0x0  }
0x14: {  	s2 =	sld [smem:$0x3F97];
	s0 =	simm.s32 @p1 $0x1  }
0x15: {  	[smem:$0x3FB4] =	sst s0;
	s0 =	simm.s32 @!p2 $0x0  }
0x16: {  	s3 =	sld [smem:$0x3FDB];
	s0 =	simm.s32 @p2 $0x1  }
0x17: {  	s4 =	simm.s32 $0x1BF5;
	[smem:$0x3FB6] =	sst s0  }
0x18: {  	s0 =	sld [smem:$0x3F99];
	_ =	swait.ge [sflag:s4], $0x0  }
0x19: {  	s7 =	sld [smem:$0x3F9A]  }
0x1a: {  	s8 =	sadd.s32 $0xFFFFE003, lr  }
0x1b: {  	s9 =	sadd.s32 $0xFFFFFEF7, lr;
	s5 =	simm.s32 $0xFFFFFFFF;
	p2 =	slt.u32 s8, $0xFFFFF086  }
0x1c: {  	p1 =	slt.u32 s9, $0xF7A;
	s5 =	simm.s32 @!p2 $0x0  }
0x1d: {  	s5 =	simm.s32 @p1 $0x1;
	p0 =	seq.s32 s7, s2  }
0x1e: {  	s7 =	smul.u32 @!p0 $0xF7A, s2;
	p2 =	seq.s32 @!p0 s5, $0x0  }
0x1f: {  	s9 =	smul.u32 $0xF7A, s1;
	s8 =	simm.s32 @!p0 $0x1BF5;
	p2 =	por !p2, p0  }
0x20: {  	[sflag:s8] =	ssyncset.s32 @!p0 $0xFFFFF086;
	s6 =	sadd.s32 @!p0 s3, s7;
	s7 =	simm.s32 @!p0 $0x108  }
0x21: {  	s3 =	sadd.s32 s3, s9;
	s6 =	sadd.s32 @!p0 $0x88, s6;
	s7 =	simm.s32 @p2 $0x1082  }
0x22: {  	[simem:s7], [sflag:s8] =	dma.local @!p0 [hbm:s6], $0xF7A  }
0x23: {  	s9 =	sor.u32 $0xD0000000, s2;
	s6 =	simm.s32 $0x108;
	_ =	swait.ge @!p0 [sflag:s8], $0x0  }
0x24: {  	s3 =	sadd.s32 $0x88, s3;
	s6 =	simm.s32 @!p1 $0x1082;
	[sflag:s4] =	ssyncset.s32 $0xFFFFF086  }
0x25: {  	[simem:s6], [sflag:s4] =	dma.local [hbm:s3], $0xF7A  }
0x26: {  	[smem:$0x3F9A] =	sst s1;
	(tag) =	ssettag s2;
	_ =	strace s9  }
0x27: {  	s1 =	sld [smem:$0x3FAA]  }
0x28: {  	s2 =	sld [smem:$0x3FAB]  }
0x29: {  	s4 =	sld [smem:$0x3FAD]  }
0x2a: {  	p0 =	seq.s32 s5, $0x0;
	s5 =	sld [smem:$0x3FAE]  }
0x2b: {  	s6 =	sld [smem:$0x3FAF]  }
0x2c: {  	s7 =	sld [smem:$0x3FB0]  }
0x2d: {  	s3 =	simm.s32 $0x108;
	s8 =	sld [smem:$0x3FB1]  }
0x2e: {  	s3 =	simm.s32 @!p0 $0x1082;
	s9 =	sld [smem:$0x3FB2]  }
0x2f: {  	lr =	sadd.s32 s0, s3;
	s0 =	sld [smem:$0x3FA9]  }
0x30: {  	s3 =	sld [smem:$0x3FAC]  }
0x31: {  	[smem:$0x3FB5] =	sst s10  }
0x32: {  	s10 =	sld [smem:$0x3FB3];
	_ =	sdelay $0x3  }
0x33: {  	p0 =	seq.s32 s10, $0x1;
	s10 =	sld [smem:$0x3FB5];
	_ =	sdelay $0x3  }
0x34: {  	[smem:$0x3FB5] =	sst s10  }
0x35: {  	s10 =	sld [smem:$0x3FB4];
	_ =	sdelay $0x3  }
0x36: {  	p1 =	seq.s32 s10, $0x1;
	s10 =	sld [smem:$0x3FB5];
	_ =	sdelay $0x3  }
0x37: {  	[smem:$0x3FB5] =	sst s10  }
0x38: {  	s10 =	sld [smem:$0x3FB6]  }
0x39: {  	_ = 	snop;
	(pc) =	sbr.ind lr, $3  }
0x3a: {  	_ = 	snop  }
0x3b: {  	_ = 	snop  }
0x3c: {  	p2 =	seq.s32 s10, $0x1;
	s10 =	sld [smem:$0x3FB5]  }
0x3d: {  	_ =	shalt  }
0x3e: {  	_ =	shalt  }
0x3f: {  	_ =	shalt  }
0x40: {  	_ =	shalt  }
0x41: {  	_ =	shalt  }
0x42: {  	_ =	shalt  }
0x43: {  	_ =	shalt  }
0x44: {  	_ =	shalt  }
0x45: {  	_ =	shalt  }
0x46: {  	_ =	shalt  }
0x47: {  	_ =	shalt  }
0x48: {  	_ =	shalt  }
0x49: {  	_ =	shalt  }
0x4a: {  	_ =	shalt  }
0x4b: {  	_ =	shalt  }
0x4c: {  	_ =	shalt  }
0x4d: {  	_ =	shalt  }
0x4e: {  	_ =	shalt  }
0x4f: {  	_ =	shalt  }
0x50: {  	_ =	shalt  }
0x51: {  	_ =	shalt  }
0x52: {  	_ =	shalt  }
0x53: {  	_ =	shalt  }
0x54: {  	_ =	shalt  }
0x55: {  	_ =	shalt  }
0x56: {  	_ =	shalt  }
0x57: {  	_ =	shalt  }
0x58: {  	_ =	shalt  }
0x59: {  	_ =	shalt  }
0x5a: {  	_ =	shalt  }
0x5b: {  	_ =	shalt  }
0x5c: {  	_ =	shalt  }
0x5d: {  	_ =	shalt  }
0x5e: {  	_ =	shalt  }
0x5f: {  	_ =	shalt  }
0x60: {  	_ =	shalt  }
0x61: {  	_ =	shalt  }
0x62: {  	_ =	shalt  }
0x63: {  	_ =	shalt  }
0x64: {  	_ =	shalt  }
0x65: {  	_ =	shalt  }
0x66: {  	_ =	shalt  }
0x67: {  	_ =	shalt  }
0x68: {  	_ =	shalt  }
0x69: {  	_ =	shalt  }
0x6a: {  	_ =	shalt  }
0x6b: {  	_ =	shalt  }
0x6c: {  	_ =	shalt  }
0x6d: {  	_ =	shalt  }
0x6e: {  	_ =	shalt  }
0x6f: {  	_ =	shalt  }
0x70: {  	_ =	shalt  }
0x71: {  	_ =	shalt  }
0x72: {  	_ =	shalt  }
0x73: {  	_ =	shalt  }
0x74: {  	_ =	shalt  }
0x75: {  	_ =	shalt  }
0x76: {  	_ =	shalt  }
0x77: {  	_ =	shalt  }
0x78: {  	_ =	shalt  }
0x79: {  	_ =	shalt  }
0x7a: {  	_ =	shalt  }
0x7b: {  	_ =	shalt  }
0x7c: {  	_ =	shalt  }
0x7d: {  	_ =	shalt  }
0x7e: {  	_ =	shalt  }
0x7f: {  	_ =	shalt  }
0x80: {  	_ =	shalt  }
0x81: {  	_ =	shalt  }
0x82: {  	_ =	shalt  }
0x83: {  	_ =	shalt  }
0x84: {  	_ =	shalt  }
0x85: {  	_ =	shalt  }
0x86: {  	_ =	shalt  }
0x87: {  	_ =	shalt  }
.Lfunc_end0:
.L_simem_size_0:
called_computation.1_lowered:
.L_overlay_start_0:
0x88: {  	s2 =	sld [smem:$0x3FD9]  }
0x89: {  	s3 =	sld [smem:$0x3FFE];
	_ =	sdelay $0x1  }
0x8a: {  	s1 =	srdreg.scid  }
0x8b: {  	s0 =	sand.u32 $0x1, s1  }
0x8c: {  	s14 =	sshll.u32 s0, $0xA;
	s2 =	sadd.s32 s3, s2  }
0x8d: {  	s2 =	sadd.s32 s2, s14  }
0x8e: {  	[smem:$0x3FC1] =	sst s2  }
0x8f: {  	_ = 	snop  }
0x90: {  	s2 =	sld [smem:$0x3FD0];
	_ =	sdelay $0x2  }
0x91: {  	s15 =	simm.s32 $0xA;
	s4 =	simm.s32 $0x10  }
0x92: {  	[smem:s4], [sflag:s15] =	dma.local [hbm:s2], $0x1  }
0x93: {  	_ =	swait.eq [sflag:s15], $0x1  }
0x94: {  	[sflag:s15] =	ssyncset.done $0x0  }
0x95: {  	[sflag:s15] =	ssyncadd.s32 $0xFFFFFFFF  }
0x96: {  	s16 =	sld [smem:$0x10];
	(tm) =	ssettm $0x1  }
0x97: {  	s17 =	sld [smem:$0x3FFB];
	_ =	sdelay $0x3  }
0x98: {  	_ =	strace s17  }
0x99: {  	s3 =	sld [smem:$0x3FFC];
	_ =	sdelay $0x3  }
0x9a: {  	_ =	strace s3  }
0x9b: {  	s3 =	sld [smem:$0x3FFD];
	_ =	sdelay $0x3  }
0x9c: {  	_ =	strace s3  }
0x9d: {  	_ =	strace $0x8FFFFFFF  }
0x9e: {  	s18 =	sld [smem:$0x3FDB];
	_ =	sdelay $0x1  }
0x9f: {  	s19 =	simm.s32 $_scs_section_size  }
0xa0: {  	s5 =	simm.s32 $_size__tile_overlayer_lowered;
	s6 =	simm.s32 $_tile_overlayer_lowered  }
0xa1: {  	s22 =	simm.s32 $0x1BFF;
	s21 =	sshll.u32 s6, $0x1;
	s3 =	sadd.s32 s19, s18  }
0xa2: {  	s7 =	simm.s32 $0x0;
	s20 =	sshll.u32 s5, $0x1;
	s5 =	sadd.s32 s21, s3  }
0xa3: {  	[timem:s7], [sflag:s22] =	dma.local [hbm:s5], s20  }
0xa4: {  	_ =	swait.ge [sflag:s22], s20  }
0xa5: {  	s4 =	ssub.s32 $0x0, s20;
	[sflag:s22] =	ssyncset.done $0x0  }
0xa6: {  	[sflag:s22] =	ssyncadd.s32 s4;
	_ =	sdelay $0x1  }
0xa7: {  	s23 =	simm.s32 $0x1B8B  }
0xa8: {  	_ =	swait.ge [sflag:s23], $0x1  }
0xa9: {  	[sflag:s23] =	ssyncset.done $0x0  }
0xaa: {  	s25 =	simm.s32 $0x1B8E;
	s24 =	sld [smem:$0x3FFE];
	[sflag:s23] =	ssyncadd.s32 $0xFFFFFFFF  }
0xab: {  	s26 =	simm.s32 $execute0_lowered;
	[smem:$0x3FD2] =	sst s25  }
0xac: {  	s5 =	sshll.u32 s26, $0x1;
	_ =	strace $0x80000049;
	[dreg:$0x1] =	wrdreg $0xFFFFFFFF  }
0xad: {  	s28 =	simm.s32 $_size_execute0_lowered;
	s3 =	sadd.s32 s3, s5;
	[dreg:$0x0] =	wrdreg $0x0  }
0xae: {  	s5 =	sshll.u32 s28, $0x1;
	[dreg:$0x2] =	wrdreg s3  }
0xaf: {  	[dreg:$0x3] =	wrdreg s5  }
0xb0: {  	[dreg:$0x4] =	wrdreg $0xC0  }
0xb1: {  	_ =	task [dreg:s7], $0x5FFFF  }
0xb2: {  	[dreg:$0x1] =	wrdreg $0xFFFFFFFF  }
0xb3: {  	[dreg:$0x0] =	wrdreg $0x60  }
0xb4: {  	[dreg:$0x2] =	wrdreg s24  }
0xb5: {  	[dreg:$0x3] =	wrdreg s16  }
0xb6: {  	[dreg:$0x4] =	wrdreg $0x9  }
0xb7: {  	_ =	task.clear_ibuf [dreg:s7], $0x5FFFF;
	_ =	strace $0x90000049  }
0xb8: {  	s29 =	simm.s32 $0x9;
	_ =	strace $0x8000004B  }
0xb9: {  	_ =	swait.ge [sflag:s29], $0x1  }
0xba: {  	[sflag:s29] =	ssyncadd.s32 $0xFFFFFFFF  }
0xbb: {  	_ =	strace $0x9000004B  }
0xbc: {  	_ =	sfence  }
0xbd: {  	s30 =	sld [smem:$0x0];
	_ =	sdelay $0x2  }
0xbe: {  	s31 =	sshll.u32 s1, $0xD;
	s1 =	sshrl.u32 s1, $0x2  }
0xbf: {  	s3 =	sand.u32 $0x4000, s31;
	s1 =	sadd.s32 s1, s30  }
0xc0: {  	s0 =	sor.u32 s3, s0;
	s1 =	sshll.u32 s1, $0x11  }
0xc1: {  	s0 =	sor.u32 s1, s0  }
0xc2: {  	s0 =	sadd.s32 $0x8F2B, s0  }
0xc3: {  	[sflag:s0] =	ssyncadd.remote.s32 $0x1  }
0xc4: {  	_ =	sfence.sel $0xFFFF  }
0xc5: {  	[dreg:$0x0] =	wrdreg $0xFFFFFFFF;
	(pc) =	sbr.abs _section_cstart, $3  }
0xc6: {  	[dreg:$0x1] =	wrdreg $0xFFFFFFFF  }
0xc7: {  	_ =	task.clear_ibuf [dreg:s7], $0x2FFFF;
	_ =	strace $0x9FFFFFFF  }
0xc8: {  	(tm) =	ssettm $0x7FFFFFFF  }
0xc9: {  	_ =	shalt  }
tec
execute0_lowered:
.L_overlay_start_1:
0x0: {  	(tag) =	ssettag $0x1  }
0x1: {  	s4 =	rddreg [dreg:$0x0]  }
0x2: {  	s6 =	rddreg [dreg:$0x1]  }
0x3: {  	s0 =	rddreg [dreg:$0x2];
	s2 =	simm.s32 $0x0;
	s1 =	stileid.u32  }
0x4: {  	s3 =	srdreg.scid;
	[smem:$0x7FF] =	sst s2  }
0x5: {  	s5 =	sshll.u32 s1, $0x13;
	s7 =	sand.u32 $0x1, s3;
	s3 =	sadd.s32 $0x181600, s4  }
0x6: {  	s9 =	sshll.u32 s1, $0xF;
	_ =	strace $0x8000004A;
	s5 =	sadd.s32 s5, s4  }
0x7: {  	s29 =	ssub.s32 $0x2, s7;
	s10 =	sshll.u32 s7, $0xE;
	s7 =	sshll.u32 s7, $0x12  }
0x8: {  	s8 =	sshrl.u32 s29, $0x1;
	s30 =	sor.u32 s10, s9;
	s5 =	sadd.s32 s7, s5  }
0x9: {  	s7 =	simm.s32 $0x2;
	s9 =	simm.s32 $0x1;
	s10 =	simm.s32 $0x0  }
0xa: {  	s4 =	ssub.s32 s29, s8;
	s31 =	sshrl.u32 s30, $0x3;
	s5 =	sadd.s32 $0x201600, s5  }
0xb: {  	s8 =	simm.s32 $0x200;
	s4 =	smax.u32 s4, $0x1;
	s6 =	sadd.s32 s31, s6  }
.LBB2_1:
0xc: {  	s11 =	sadd.s32 $0x0, s6  }
0xd: {  	[tilespmem:s2], [sflag:$0x2] =	stream.linear.gather [hbm4b:s11+s2], $0x200, $0x38;
	[tilespmem:$0x10200] =	vst v63  }
0xe: {  	_ =	swait.ge [sflag:s7], $0x200  }
0xf: {  	[sflag:s7] =	ssyncset.done $0x0  }
0x10: {  	[sflag:s7] =	ssyncadd.s32 $0xFFFFFE00  }
0x11: {  	[tilespmem:s8], [sflag:$0x1] =	stream.indirect.gather [hbm4b:s3+s8], $0x80, s2, s8, $0xb8;
	[tilespmem:$0x10200] =	vst v63  }
0x12: {  	_ =	swait.ge [sflag:s9], $0x10000  }
0x13: {  	[sflag:s9] =	ssyncset.done $0x0  }
0x14: {  	[sflag:s9] =	ssyncadd.s32 $0xFFFF0000  }
0x15: {  	[hbm4b:s5+s2] =	stream.linear.scatter [tilespmem:s8], [sflag:$0x2], $0x10000, $0x38;
	[tilespmem:$0x10200] =	vst v63  }
0x16: {  	s12 =	simm.s32 $0x40;
	_ =	swait.ge [sflag:s7], $0x10000  }
0x17: {  	s13 =	simm.s32 $0x80;
	s11 =	sadd.s32 $0x2000, s5;
	[sflag:s7] =	ssyncset.done $0x0  }
.LBB2_2:
0x18: {  	s14 =	sadd.s32 s12, s6  }
0x19: {  	[sflag:s7] =	ssyncadd.s32 $0xFFFF0000;
	s12 =	smov.u32 s13;
	s15 =	sadd.s32 $0x40, s13  }
0x1a: {  	[tilespmem:s2], [sflag:$0x2] =	stream.linear.gather [hbm4b:s14+s2], $0x200, $0x38;
	[tilespmem:$0x10200] =	vst v63  }
0x1b: {  	p0 =	sne.s32 s13, $0x7C0;
	_ =	swait.ge [sflag:s7], $0x200  }
0x1c: {  	[sflag:s7] =	ssyncset.done $0x0  }
0x1d: {  	[sflag:s7] =	ssyncadd.s32 $0xFFFFFE00  }
0x1e: {  	[tilespmem:s8], [sflag:$0x1] =	stream.indirect.gather [hbm4b:s3+s8], $0x80, s2, s8, $0xb8;
	[tilespmem:$0x10200] =	vst v63  }
0x1f: {  	_ =	swait.ge [sflag:s9], $0x10000  }
.Ltmp0:
0x20: {  	[sflag:s9] =	ssyncset.done $0x0;
	(pc) =	sbr.rel @p0 .LBB2_2-.Ltmp0, $4  }
0x21: {  	[sflag:s9] =	ssyncadd.s32 $0xFFFF0000  }
0x22: {  	[hbm4b:s11+s2] =	stream.linear.scatter [tilespmem:s8], [sflag:$0x2], $0x10000, $0x38;
	[tilespmem:$0x10200] =	vst v63  }
0x23: {  	_ =	swait.ge [sflag:s7], $0x10000  }
0x24: {  	s13 =	smov.u32 s15;
	s11 =	sadd.s32 $0x2000, s11;
	[sflag:s7] =	ssyncset.done $0x0  }
0x25: {  	s12 =	sadd.s32 s12, s6;
	[sflag:s7] =	ssyncadd.s32 $0xFFFF0000  }
0x26: {  	[tilespmem:s2], [sflag:$0x2] =	stream.linear.gather [hbm4b:s12+s2], $0x200, $0x38;
	[tilespmem:$0x10200] =	vst v63  }
0x27: {  	_ =	swait.ge [sflag:s7], $0x200  }
0x28: {  	[sflag:s7] =	ssyncset.done $0x0  }
0x29: {  	[sflag:s7] =	ssyncadd.s32 $0xFFFFFE00  }
0x2a: {  	[tilespmem:s8], [sflag:$0x1] =	stream.indirect.gather [hbm4b:s3+s8], $0x80, s2, s8, $0xb8;
	[tilespmem:$0x10200] =	vst v63  }
0x2b: {  	s10 =	sadd.s32 $0x1, s10;
	_ =	swait.ge [sflag:s9], $0x10000  }
0x2c: {  	p0 =	sne.s32 s10, s4;
	[sflag:s9] =	ssyncset.done $0x0  }
.Ltmp1:
0x2d: {  	[sflag:s9] =	ssyncadd.s32 $0xFFFF0000;
	(pc) =	sbr.rel @p0 .LBB2_1-.Ltmp1, $4  }
0x2e: {  	[hbm4b:s11+s2] =	stream.linear.scatter [tilespmem:s8], [sflag:$0x2], $0x10000, $0x38;
	[tilespmem:$0x10200] =	vst v63  }
0x2f: {  	_ =	swait.ge [sflag:s7], $0x10000  }
0x30: {  	[sflag:s7] =	ssyncset.done $0x0  }
0x31: {  	[sflag:s7] =	ssyncadd.s32 $0xFFFF0000  }
0x32: {  	_ =	sfence.sel $0x180000  }
0x33: {  	[bflag:$0x0] =	sbarrier.arrive $0xFFFF  }
0x34: {  	p0 =	sne.s32 s1, $0x0;
	_ =	strace $0x9000004A  }
0x35: {  	s0 =	sadd.s32 @!p0 $0x100000, s0;
	[bflag:$0x2] =	sbarrier.arrive $0xFFFF  }
0x36: {  	[sflag:s0] =	ssyncadd.tile.s32 @!p0 $0x1;
	_ =	shalt  }
.Lfunc_end2:
_tile_overlayer_lowered:
.L_overlay_start_2:
0x37: {  	(tag) =	ssettag $0x2  }
0x38: {  	s0 =	rddreg [dreg:$0x0];
	s2 =	stileid.u32  }
0x39: {  	s1 =	rddreg [dreg:$0x1];
	p0 =	sne.s32 s2, $0x0  }
0x3a: {  	s3 =	rddreg [dreg:$0x2];
	[bflag:$0x3] =	sbarrier.arrive $0xFFFF;
	s2 =	simm.s32 @!p0 $0x1C02  }
0x3b: {  	[timem:s3], [sflag:s2] =	dma.local @!p0 [hbm:s0], s1  }
0x3c: {  	s0 =	simm.s32 @!p0 $0x2  }
0x3d: {  	_ =	swait.ge @!p0 [sflag:s0], s1  }
0x3e: {  	s1 =	ssub.s32 @!p0 $0x0, s1;
	[sflag:s0] =	ssyncset.done @!p0 $0x0  }
0x3f: {  	[sflag:s0] =	ssyncadd.s32 @!p0 s1  }
0x40: {  	[bflag:$0x3] =	sbarrier.arrive $0xFFFF  }
0x41: {  	_ =	shalt  }

// kernel: kernel.8.cloned.1.call-start
scs
__scs_entry_jumppad:
0x0: {  	(pc) =	sbr.rel $0x88, $3  }
0x1: {  	(tag) =	ssettag $0x0;
	lr =	simm.s32 $0x1  }
0x2: {  	[smem:$0x3F9A] =	sst lr;
	_ =	strace $0xD0000000  }
0x3: {  	_ = 	snop  }
0x4: {  	_ = 	snop  }
0x5: {  	_ = 	snop  }
0x6: {  	_ = 	snop  }
0x7: {  	_ = 	snop  }
__scs_overlays_trampoline_lowered:
0x8: {  	[smem:$0x3FA9] =	sst s0  }
0x9: {  	[smem:$0x3FAA] =	sst s1  }
0xa: {  	[smem:$0x3FAB] =	sst s2  }
0xb: {  	[smem:$0x3FAC] =	sst s3  }
0xc: {  	[smem:$0x3FAD] =	sst s4  }
0xd: {  	[smem:$0x3FAE] =	sst s5  }
0xe: {  	[smem:$0x3FAF] =	sst s6  }
0xf: {  	[smem:$0x3FB0] =	sst s7  }
0x10: {  	[smem:$0x3FB1] =	sst s8  }
0x11: {  	[smem:$0x3FB2] =	sst s9;
	s0 =	simm.s32 @!p0 $0x0  }
0x12: {  	s1 =	sld [smem:$0x3F98];
	s0 =	simm.s32 @p0 $0x1  }
0x13: {  	[smem:$0x3FB3] =	sst s0;
	s0 =	simm.s32 @!p1 $0x0  }
0x14: {  	s2 =	sld [smem:$0x3F97];
	s0 =	simm.s32 @p1 $0x1  }
0x15: {  	[smem:$0x3FB4] =	sst s0;
	s0 =	simm.s32 @!p2 $0x0  }
0x16: {  	s3 =	sld [smem:$0x3FDB];
	s0 =	simm.s32 @p2 $0x1  }
0x17: {  	s4 =	simm.s32 $0x1BF5;
	[smem:$0x3FB6] =	sst s0  }
0x18: {  	s0 =	sld [smem:$0x3F99];
	_ =	swait.ge [sflag:s4], $0x0  }
0x19: {  	s7 =	sld [smem:$0x3F9A]  }
0x1a: {  	s8 =	sadd.s32 $0xFFFFE003, lr  }
0x1b: {  	s9 =	sadd.s32 $0xFFFFFEF7, lr;
	s5 =	simm.s32 $0xFFFFFFFF;
	p2 =	slt.u32 s8, $0xFFFFF086  }
0x1c: {  	p1 =	slt.u32 s9, $0xF7A;
	s5 =	simm.s32 @!p2 $0x0  }
0x1d: {  	s5 =	simm.s32 @p1 $0x1;
	p0 =	seq.s32 s7, s2  }
0x1e: {  	s7 =	smul.u32 @!p0 $0xF7A, s2;
	p2 =	seq.s32 @!p0 s5, $0x0  }
0x1f: {  	s9 =	smul.u32 $0xF7A, s1;
	s8 =	simm.s32 @!p0 $0x1BF5;
	p2 =	por !p2, p0  }
0x20: {  	[sflag:s8] =	ssyncset.s32 @!p0 $0xFFFFF086;
	s6 =	sadd.s32 @!p0 s3, s7;
	s7 =	simm.s32 @!p0 $0x108  }
0x21: {  	s3 =	sadd.s32 s3, s9;
	s6 =	sadd.s32 @!p0 $0x88, s6;
	s7 =	simm.s32 @p2 $0x1082  }
0x22: {  	[simem:s7], [sflag:s8] =	dma.local @!p0 [hbm:s6], $0xF7A  }
0x23: {  	s9 =	sor.u32 $0xD0000000, s2;
	s6 =	simm.s32 $0x108;
	_ =	swait.ge @!p0 [sflag:s8], $0x0  }
0x24: {  	s3 =	sadd.s32 $0x88, s3;
	s6 =	simm.s32 @!p1 $0x1082;
	[sflag:s4] =	ssyncset.s32 $0xFFFFF086  }
0x25: {  	[simem:s6], [sflag:s4] =	dma.local [hbm:s3], $0xF7A  }
0x26: {  	[smem:$0x3F9A] =	sst s1;
	(tag) =	ssettag s2;
	_ =	strace s9  }
0x27: {  	s1 =	sld [smem:$0x3FAA]  }
0x28: {  	s2 =	sld [smem:$0x3FAB]  }
0x29: {  	s4 =	sld [smem:$0x3FAD]  }
0x2a: {  	p0 =	seq.s32 s5, $0x0;
	s5 =	sld [smem:$0x3FAE]  }
0x2b: {  	s6 =	sld [smem:$0x3FAF]  }
0x2c: {  	s7 =	sld [smem:$0x3FB0]  }
0x2d: {  	s3 =	simm.s32 $0x108;
	s8 =	sld [smem:$0x3FB1]  }
0x2e: {  	s3 =	simm.s32 @!p0 $0x1082;
	s9 =	sld [smem:$0x3FB2]  }
0x2f: {  	lr =	sadd.s32 s0, s3;
	s0 =	sld [smem:$0x3FA9]  }
0x30: {  	s3 =	sld [smem:$0x3FAC]  }
0x31: {  	[smem:$0x3FB5] =	sst s10  }
0x32: {  	s10 =	sld [smem:$0x3FB3];
	_ =	sdelay $0x3  }
0x33: {  	p0 =	seq.s32 s10, $0x1;
	s10 =	sld [smem:$0x3FB5];
	_ =	sdelay $0x3  }
0x34: {  	[smem:$0x3FB5] =	sst s10  }
0x35: {  	s10 =	sld [smem:$0x3FB4];
	_ =	sdelay $0x3  }
0x36: {  	p1 =	seq.s32 s10, $0x1;
	s10 =	sld [smem:$0x3FB5];
	_ =	sdelay $0x3  }
0x37: {  	[smem:$0x3FB5] =	sst s10  }
0x38: {  	s10 =	sld [smem:$0x3FB6]  }
0x39: {  	_ = 	snop;
	(pc) =	sbr.ind lr, $3  }
0x3a: {  	_ = 	snop  }
0x3b: {  	_ = 	snop  }
0x3c: {  	p2 =	seq.s32 s10, $0x1;
	s10 =	sld [smem:$0x3FB5]  }
0x3d: {  	_ =	shalt  }
0x3e: {  	_ =	shalt  }
0x3f: {  	_ =	shalt  }
0x40: {  	_ =	shalt  }
0x41: {  	_ =	shalt  }
0x42: {  	_ =	shalt  }
0x43: {  	_ =	shalt  }
0x44: {  	_ =	shalt  }
0x45: {  	_ =	shalt  }
0x46: {  	_ =	shalt  }
0x47: {  	_ =	shalt  }
0x48: {  	_ =	shalt  }
0x49: {  	_ =	shalt  }
0x4a: {  	_ =	shalt  }
0x4b: {  	_ =	shalt  }
0x4c: {  	_ =	shalt  }
0x4d: {  	_ =	shalt  }
0x4e: {  	_ =	shalt  }
0x4f: {  	_ =	shalt  }
0x50: {  	_ =	shalt  }
0x51: {  	_ =	shalt  }
0x52: {  	_ =	shalt  }
0x53: {  	_ =	shalt  }
0x54: {  	_ =	shalt  }
0x55: {  	_ =	shalt  }
0x56: {  	_ =	shalt  }
0x57: {  	_ =	shalt  }
0x58: {  	_ =	shalt  }
0x59: {  	_ =	shalt  }
0x5a: {  	_ =	shalt  }
0x5b: {  	_ =	shalt  }
0x5c: {  	_ =	shalt  }
0x5d: {  	_ =	shalt  }
0x5e: {  	_ =	shalt  }
0x5f: {  	_ =	shalt  }
0x60: {  	_ =	shalt  }
0x61: {  	_ =	shalt  }
0x62: {  	_ =	shalt  }
0x63: {  	_ =	shalt  }
0x64: {  	_ =	shalt  }
0x65: {  	_ =	shalt  }
0x66: {  	_ =	shalt  }
0x67: {  	_ =	shalt  }
0x68: {  	_ =	shalt  }
0x69: {  	_ =	shalt  }
0x6a: {  	_ =	shalt  }
0x6b: {  	_ =	shalt  }
0x6c: {  	_ =	shalt  }
0x6d: {  	_ =	shalt  }
0x6e: {  	_ =	shalt  }
0x6f: {  	_ =	shalt  }
0x70: {  	_ =	shalt  }
0x71: {  	_ =	shalt  }
0x72: {  	_ =	shalt  }
0x73: {  	_ =	shalt  }
0x74: {  	_ =	shalt  }
0x75: {  	_ =	shalt  }
0x76: {  	_ =	shalt  }
0x77: {  	_ =	shalt  }
0x78: {  	_ =	shalt  }
0x79: {  	_ =	shalt  }
0x7a: {  	_ =	shalt  }
0x7b: {  	_ =	shalt  }
0x7c: {  	_ =	shalt  }
0x7d: {  	_ =	shalt  }
0x7e: {  	_ =	shalt  }
0x7f: {  	_ =	shalt  }
0x80: {  	_ =	shalt  }
0x81: {  	_ =	shalt  }
0x82: {  	_ =	shalt  }
0x83: {  	_ =	shalt  }
0x84: {  	_ =	shalt  }
0x85: {  	_ =	shalt  }
0x86: {  	_ =	shalt  }
0x87: {  	_ =	shalt  }
.Lfunc_end0:
.L_simem_size_0:
called_computation_lowered:
.L_overlay_start_0:
0x88: {  	s2 =	sld [smem:$0x3FD9]  }
0x89: {  	s3 =	sld [smem:$0x3FFE];
	_ =	sdelay $0x1  }
0x8a: {  	s1 =	srdreg.scid  }
0x8b: {  	s0 =	sand.u32 $0x1, s1  }
0x8c: {  	s14 =	sshll.u32 s0, $0xA;
	s2 =	sadd.s32 s3, s2  }
0x8d: {  	s2 =	sadd.s32 s2, s14  }
0x8e: {  	[smem:$0x3FC1] =	sst s2  }
0x8f: {  	_ = 	snop  }
0x90: {  	s2 =	sld [smem:$0x3FD0];
	_ =	sdelay $0x2  }
0x91: {  	s15 =	simm.s32 $0xA;
	s4 =	simm.s32 $0x10  }
0x92: {  	[smem:s4], [sflag:s15] =	dma.local [hbm:s2], $0x1  }
0x93: {  	_ =	swait.eq [sflag:s15], $0x1  }
0x94: {  	[sflag:s15] =	ssyncset.done $0x0  }
0x95: {  	[sflag:s15] =	ssyncadd.s32 $0xFFFFFFFF  }
0x96: {  	s16 =	sld [smem:$0x12];
	(tm) =	ssettm $0x1  }
0x97: {  	s17 =	sld [smem:$0x3FFB];
	_ =	sdelay $0x3  }
0x98: {  	_ =	strace s17  }
0x99: {  	s3 =	sld [smem:$0x3FFC];
	_ =	sdelay $0x3  }
0x9a: {  	_ =	strace s3  }
0x9b: {  	s3 =	sld [smem:$0x3FFD];
	_ =	sdelay $0x3  }
0x9c: {  	_ =	strace s3  }
0x9d: {  	_ =	strace $0x8FFFFFFF  }
0x9e: {  	s18 =	sld [smem:$0x3FDB];
	_ =	sdelay $0x1  }
0x9f: {  	s19 =	simm.s32 $_scs_section_size  }
0xa0: {  	s5 =	simm.s32 $_size__tile_overlayer_lowered;
	s6 =	simm.s32 $_tile_overlayer_lowered  }
0xa1: {  	s22 =	simm.s32 $0x1BFF;
	s21 =	sshll.u32 s6, $0x1;
	s3 =	sadd.s32 s19, s18  }
0xa2: {  	s7 =	simm.s32 $0x0;
	s20 =	sshll.u32 s5, $0x1;
	s5 =	sadd.s32 s21, s3  }
0xa3: {  	[timem:s7], [sflag:s22] =	dma.local [hbm:s5], s20  }
0xa4: {  	_ =	swait.ge [sflag:s22], s20  }
0xa5: {  	s4 =	ssub.s32 $0x0, s20;
	[sflag:s22] =	ssyncset.done $0x0  }
0xa6: {  	[sflag:s22] =	ssyncadd.s32 s4;
	_ =	sdelay $0x1  }
0xa7: {  	s23 =	simm.s32 $0x1B8B  }
0xa8: {  	_ =	swait.ge [sflag:s23], $0x1  }
0xa9: {  	[sflag:s23] =	ssyncset.done $0x0  }
0xaa: {  	s25 =	simm.s32 $0x1B8E;
	s24 =	sld [smem:$0x3FFE];
	[sflag:s23] =	ssyncadd.s32 $0xFFFFFFFF  }
0xab: {  	s26 =	simm.s32 $execute0_lowered;
	[smem:$0x3FD2] =	sst s25  }
0xac: {  	s5 =	sshll.u32 s26, $0x1;
	_ =	strace $0x80000046;
	[dreg:$0x1] =	wrdreg $0xFFFFFFFF  }
0xad: {  	s28 =	simm.s32 $_size_execute0_lowered;
	s3 =	sadd.s32 s3, s5;
	[dreg:$0x0] =	wrdreg $0x0  }
0xae: {  	s5 =	sshll.u32 s28, $0x1;
	[dreg:$0x2] =	wrdreg s3  }
0xaf: {  	[dreg:$0x3] =	wrdreg s5  }
0xb0: {  	[dreg:$0x4] =	wrdreg $0xC0  }
0xb1: {  	_ =	task [dreg:s7], $0x5FFFF  }
0xb2: {  	[dreg:$0x1] =	wrdreg $0xFFFFFFFF  }
0xb3: {  	[dreg:$0x0] =	wrdreg $0x60  }
0xb4: {  	[dreg:$0x2] =	wrdreg s24  }
0xb5: {  	[dreg:$0x3] =	wrdreg s16  }
0xb6: {  	[dreg:$0x4] =	wrdreg $0x9  }
0xb7: {  	_ =	task.clear_ibuf [dreg:s7], $0x5FFFF;
	_ =	strace $0x90000046  }
0xb8: {  	s29 =	simm.s32 $0x9;
	_ =	strace $0x80000048  }
0xb9: {  	_ =	swait.ge [sflag:s29], $0x1  }
0xba: {  	[sflag:s29] =	ssyncadd.s32 $0xFFFFFFFF  }
0xbb: {  	_ =	strace $0x90000048  }
0xbc: {  	_ =	sfence  }
0xbd: {  	s30 =	sld [smem:$0x0];
	_ =	sdelay $0x2  }
0xbe: {  	s31 =	sshll.u32 s1, $0xD;
	s1 =	sshrl.u32 s1, $0x2  }
0xbf: {  	s3 =	sand.u32 $0x4000, s31;
	s1 =	sadd.s32 s1, s30  }
0xc0: {  	s0 =	sor.u32 s3, s0;
	s1 =	sshll.u32 s1, $0x11  }
0xc1: {  	s0 =	sor.u32 s1, s0  }
0xc2: {  	s0 =	sadd.s32 $0x8F2B, s0  }
0xc3: {  	[sflag:s0] =	ssyncadd.remote.s32 $0x1  }
0xc4: {  	_ =	sfence.sel $0xFFFF  }
0xc5: {  	[dreg:$0x0] =	wrdreg $0xFFFFFFFF;
	(pc) =	sbr.abs _section_cstart, $3  }
0xc6: {  	[dreg:$0x1] =	wrdreg $0xFFFFFFFF  }
0xc7: {  	_ =	task.clear_ibuf [dreg:s7], $0x2FFFF;
	_ =	strace $0x9FFFFFFF  }
0xc8: {  	(tm) =	ssettm $0x7FFFFFFF  }
0xc9: {  	_ =	shalt  }
tec
execute0_lowered:
.L_overlay_start_1:
0x0: {  	(tag) =	ssettag $0x1  }
0x1: {  	s1 =	srdreg.scid  }
0x2: {  	s8 =	rddreg [dreg:$0x0];
	s0 =	stileid.u32  }
0x3: {  	s3 =	rddreg [dreg:$0x1];
	s2 =	simm.s32 $0x0;
	s6 =	sand.u32 $0x1, s1  }
0x4: {  	s4 =	sshll.u32 s0, $0x9;
	s1 =	rddreg [dreg:$0x2];
	s5 =	sshll.u32 s6, $0x8  }
0x5: {  	s7 =	simm.s32 $0x1;
	[smem:$0x7FF] =	sst s2;
	s9 =	sor.u32 s5, s4  }
0x6: {  	_ =	strace $0x80000047;
	s10 =	ssub.s32 $0x2, s6;
	s4 =	sshrl.u32 s9, $0x3  }
0x7: {  	s6 =	simm.s32 $0x100;
	s4 =	sadd.s32 s3, s4;
	s3 =	simm.s32 $0x2  }
0x8: {  	[tilespmem:s2], [sflag:$0x2] =	stream.linear.gather [hbm4b:s4+s2], $0x100, $0x38;
	[tilespmem:$0x8100] =	vst v63  }
0x9: {  	s5 =	sadd.s32 $0x101600, s8;
	s11 =	sshrl.u32 s10, $0x1;
	_ =	swait.ge [sflag:s3], $0x100  }
0xa: {  	s9 =	sshll.u32 s9, $0x4;
	s31 =	ssub.s32 s10, s11;
	[sflag:s3] =	ssyncset.done $0x0  }
0xb: {  	s8 =	sadd.s32 s9, s8;
	s9 =	smax.u32 s31, $0x1;
	[sflag:s3] =	ssyncadd.s32 $0xFFFFFF00  }
0xc: {  	[tilespmem:s6], [sflag:$0x1] =	stream.indirect.gather [hbm4b:s5+s6], $0x80, s2, s6, $0xb8;
	[tilespmem:$0x8100] =	vst v63  }
0xd: {  	p0 =	sne.s32 s9, $0x1;
	_ =	swait.ge [sflag:s7], $0x8000  }
.Ltmp0:
0xe: {  	[sflag:s7] =	ssyncset.done $0x0;
	(pc) =	sbr.rel @!p0 .LBB2_2-.Ltmp0, $4  }
0xf: {  	s8 =	sadd.s32 $0x1600, s8;
	[sflag:s7] =	ssyncadd.s32 $0xFFFF8000  }
0x10: {  	[hbm4b:s8+s2] =	stream.linear.scatter [tilespmem:s6], [sflag:$0x2], $0x8000, $0x38;
	[tilespmem:$0x8100] =	vst v63  }
0x11: {  	_ =	swait.ge [sflag:s3], $0x8000  }
0x12: {  	s9 =	sadd.s32 $0xFFFFFFFF, s9;
	[sflag:s3] =	ssyncset.done $0x0  }
.LBB2_1:
0x13: {  	p0 =	sne.s32 s9, $0x1;
	s9 =	sadd.s32 $0xFFFFFFFF, s9;
	[sflag:s3] =	ssyncadd.s32 $0xFFFF8000  }
0x14: {  	[tilespmem:s2], [sflag:$0x2] =	stream.linear.gather [hbm4b:s4+s2], $0x100, $0x38;
	[tilespmem:$0x8100] =	vst v63  }
0x15: {  	_ =	swait.ge [sflag:s3], $0x100  }
0x16: {  	[sflag:s3] =	ssyncset.done $0x0  }
0x17: {  	[sflag:s3] =	ssyncadd.s32 $0xFFFFFF00  }
0x18: {  	[tilespmem:s6], [sflag:$0x1] =	stream.indirect.gather [hbm4b:s5+s6], $0x80, s2, s6, $0xb8;
	[tilespmem:$0x8100] =	vst v63  }
0x19: {  	_ =	swait.ge [sflag:s7], $0x8000  }
.Ltmp1:
0x1a: {  	[sflag:s7] =	ssyncset.done $0x0;
	(pc) =	sbr.rel @p0 .LBB2_1-.Ltmp1, $4  }
0x1b: {  	[sflag:s7] =	ssyncadd.s32 $0xFFFF8000  }
0x1c: {  	[hbm4b:s8+s2] =	stream.linear.scatter [tilespmem:s6], [sflag:$0x2], $0x8000, $0x38;
	[tilespmem:$0x8100] =	vst v63  }
0x1d: {  	_ =	swait.ge [sflag:s3], $0x8000  }
0x1e: {  	[sflag:s3] =	ssyncset.done $0x0  }
.LBB2_2:
0x1f: {  	[sflag:s3] =	ssyncadd.s32 $0xFFFF8000  }
0x20: {  	_ =	sfence.sel $0x180000  }
0x21: {  	[bflag:$0x0] =	sbarrier.arrive $0xFFFF  }
0x22: {  	p0 =	sne.s32 s0, $0x0;
	_ =	strace $0x90000047  }
0x23: {  	s0 =	sadd.s32 @!p0 $0x100000, s1;
	[bflag:$0x2] =	sbarrier.arrive $0xFFFF  }
0x24: {  	[sflag:s0] =	ssyncadd.tile.s32 @!p0 $0x1;
	_ =	shalt  }
.Lfunc_end2:
_tile_overlayer_lowered:
.L_overlay_start_2:
0x25: {  	(tag) =	ssettag $0x2  }
0x26: {  	s0 =	rddreg [dreg:$0x0];
	s2 =	stileid.u32  }
0x27: {  	s1 =	rddreg [dreg:$0x1];
	p0 =	sne.s32 s2, $0x0  }
0x28: {  	s3 =	rddreg [dreg:$0x2];
	[bflag:$0x3] =	sbarrier.arrive $0xFFFF;
	s2 =	simm.s32 @!p0 $0x1C02  }
0x29: {  	[timem:s3], [sflag:s2] =	dma.local @!p0 [hbm:s0], s1  }
0x2a: {  	s0 =	simm.s32 @!p0 $0x2  }
0x2b: {  	_ =	swait.ge @!p0 [sflag:s0], s1  }
0x2c: {  	s1 =	ssub.s32 @!p0 $0x0, s1;
	[sflag:s0] =	ssyncset.done @!p0 $0x0  }
0x2d: {  	[sflag:s0] =	ssyncadd.s32 @!p0 s1  }
0x2e: {  	[bflag:$0x3] =	sbarrier.arrive $0xFFFF  }
0x2f: {  	_ =	shalt  }

</sc_bundles>
